<compile_context>
chip_gen: v7x
topology: tpu7x:2x2x1
jax: 0.10.2.dev20260603
libtpu: 0.0.44.dev20260713+nightly
codegen_flags: <defaults>
</compile_context>

<pallas_src>
import functools

import jax
import jax.numpy as jnp
from jax import lax
from jax.experimental import pallas as pl
from jax.experimental.pallas import tpu as pltpu
from jax.experimental.pallas import tpu_sc as plsc

N = 10000
E = 320000
D = 128

NC = 2
NS = 16
NW = NC * NS
EPW = E // NW
NP = 10112
ROWS_PT = NP // NS
CHUNK = 176
STEPS = 58
PAIRS = STEPS // 2
EPT = CHUNK * STEPS
EP = NW * EPT

_mesh = plsc.VectorSubcoreMesh(core_axis_name="c", subcore_axis_name="s")
_sc_params = pltpu.CompilerParams(needs_layout_passes=False)



@functools.partial(
    pl.kernel,
    out_type=jax.ShapeDtypeStruct((NW, N), jnp.float32),
    mesh=_mesh,
    compiler_params=_sc_params,
    scratch_types=[
        pltpu.VMEM((EPW,), jnp.int32),
        pltpu.VMEM((N,), jnp.float32),
    ],
)
def _deg_kernel(dst_hbm, out_hbm, dst_v, hist_v):
    c = lax.axis_index("c")
    s = lax.axis_index("s")
    wid = s * NC + c

    zeros16 = jnp.zeros((16,), jnp.float32)

    @pl.loop(0, N, step=16)
    def _(i):
        hist_v[pl.ds(i, 16)] = zeros16

    pltpu.sync_copy(dst_hbm.at[pl.ds(wid * EPW, EPW)], dst_v)

    ones16 = jnp.ones((16,), jnp.float32)

    @pl.loop(0, EPW, step=16)
    def _(i):
        idx = dst_v[pl.ds(i, 16)]
        plsc.addupdate_scatter(hist_v, [idx], ones16)

    pltpu.sync_copy(hist_v, out_hbm.at[wid])


@functools.partial(
    pl.kernel,
    out_type=jax.ShapeDtypeStruct((NC, NP, D), jnp.float32),
    mesh=_mesh,
    compiler_params=_sc_params,
    scratch_types=[
        pltpu.VMEM((CHUNK,), jnp.int32),
        pltpu.VMEM((CHUNK,), jnp.int32),
        pltpu.VMEM((CHUNK,), jnp.int32),
        pltpu.VMEM((CHUNK,), jnp.int32),
        pltpu.VMEM((CHUNK, D), jnp.float32),
        pltpu.VMEM((CHUNK, D), jnp.float32),
        pltpu.VMEM_SHARED((NP, D), jnp.float32),
        pltpu.SemaphoreType.DMA,
        pltpu.SemaphoreType.DMA,
        pltpu.SemaphoreType.DMA,
        pltpu.SemaphoreType.DMA,
    ],
)
def _agg_kernel(g_hbm, src_hbm, dst_hbm, zero_hbm, out_hbm,
                src0, dst0, src1, dst1, rows0, rows1, acc_sh,
                gsem0, gsem1, ssem0, ssem1):
    c = lax.axis_index("c")
    s = lax.axis_index("s")
    wid = s * NC + c
    base = wid * EPT

    pltpu.sync_copy(zero_hbm.at[pl.ds(s * ROWS_PT, ROWS_PT)],
                    acc_sh.at[pl.ds(s * ROWS_PT, ROWS_PT)])
    plsc.subcore_barrier()

    pltpu.sync_copy(src_hbm.at[pl.ds(base, CHUNK)], src0)
    pltpu.sync_copy(dst_hbm.at[pl.ds(base, CHUNK)], dst0)
    pltpu.async_copy(g_hbm.at[src0], rows0, gsem0)
    pltpu.sync_copy(src_hbm.at[pl.ds(base + CHUNK, CHUNK)], src1)
    pltpu.sync_copy(dst_hbm.at[pl.ds(base + CHUNK, CHUNK)], dst1)

    @pl.loop(0, PAIRS)
    def _(k):
        i = 2 * k
        not_last = k < PAIRS - 1

        pltpu.async_copy(g_hbm.at[src1], rows1, gsem1)
        pltpu.make_async_copy(g_hbm.at[src0], rows0, gsem0).wait()
        pltpu.async_copy(rows0, acc_sh.at[dst0], ssem0, add=True)
        pltpu.make_async_copy(rows0, acc_sh.at[dst0], ssem0).wait()

        @pl.when(not_last)
        def _():
            off2 = base + (i + 2) * CHUNK
            pltpu.sync_copy(src_hbm.at[pl.ds(off2, CHUNK)], src0)
            pltpu.sync_copy(dst_hbm.at[pl.ds(off2, CHUNK)], dst0)

        pltpu.make_async_copy(g_hbm.at[src1], rows1, gsem1).wait()
        pltpu.async_copy(rows1, acc_sh.at[dst1], ssem1, add=True)

        @pl.when(not_last)
        def _():
            pltpu.async_copy(g_hbm.at[src0], rows0, gsem0)

        pltpu.make_async_copy(rows1, acc_sh.at[dst1], ssem1).wait()

        @pl.when(not_last)
        def _():
            off3 = base + (i + 3) * CHUNK
            pltpu.sync_copy(src_hbm.at[pl.ds(off3, CHUNK)], src1)
            pltpu.sync_copy(dst_hbm.at[pl.ds(off3, CHUNK)], dst1)

    plsc.subcore_barrier()
    pltpu.sync_copy(acc_sh.at[pl.ds(s * ROWS_PT, ROWS_PT)],
                    out_hbm.at[c, pl.ds(s * ROWS_PT, ROWS_PT)])



BM = 1000


def _dinv_body(parts_ref, dinv_ref):
    deg = jnp.sum(parts_ref[...], axis=0) + 1.0
    dinv_ref[...] = lax.rsqrt(deg)


_dinv_call = pl.pallas_call(
    _dinv_body,
    out_shape=jax.ShapeDtypeStruct((N,), jnp.float32),
)


def _mm_scale_body(x_ref, w_ref, dinv_ref, o_ref):
    o_ref[...] = jnp.dot(x_ref[...], w_ref[...],
                         preferred_element_type=jnp.float32) * dinv_ref[...]


_mm_scale_call = pl.pallas_call(
    _mm_scale_body,
    grid=(N // BM,),
    in_specs=[
        pl.BlockSpec((BM, D), lambda i: (i, 0)),
        pl.BlockSpec((D, D), lambda i: (0, 0)),
        pl.BlockSpec((BM, 1), lambda i: (i, 0)),
    ],
    out_specs=pl.BlockSpec((BM, D), lambda i: (i, 0)),
    out_shape=jax.ShapeDtypeStruct((N, D), jnp.float32),
)


def _combine_mm_body(p_ref, g_ref, dinv_ref, b_ref, w_ref, o_ref):
    h = (p_ref[0] + p_ref[1] + g_ref[...]) * dinv_ref[...] + b_ref[...]
    h = jnp.maximum(h, 0.0)
    o_ref[...] = jnp.dot(h, w_ref[...],
                         preferred_element_type=jnp.float32) * dinv_ref[...]


_combine_mm_call = pl.pallas_call(
    _combine_mm_body,
    grid=(N // BM,),
    in_specs=[
        pl.BlockSpec((NC, BM, D), lambda i: (0, i, 0)),
        pl.BlockSpec((BM, D), lambda i: (i, 0)),
        pl.BlockSpec((BM, 1), lambda i: (i, 0)),
        pl.BlockSpec((1, D), lambda i: (0, 0)),
        pl.BlockSpec((D, D), lambda i: (0, 0)),
    ],
    out_specs=pl.BlockSpec((BM, D), lambda i: (i, 0)),
    out_shape=jax.ShapeDtypeStruct((N, D), jnp.float32),
)


def _final_body(p_ref, g_ref, dinv_ref, b_ref, o_ref):
    o_ref[...] = (p_ref[0] + p_ref[1] + g_ref[...]) * dinv_ref[...] + b_ref[...]


_final_call = pl.pallas_call(
    _final_body,
    grid=(N // BM,),
    in_specs=[
        pl.BlockSpec((NC, BM, D), lambda i: (0, i, 0)),
        pl.BlockSpec((BM, D), lambda i: (i, 0)),
        pl.BlockSpec((BM, 1), lambda i: (i, 0)),
        pl.BlockSpec((1, D), lambda i: (0, 0)),
    ],
    out_specs=pl.BlockSpec((BM, D), lambda i: (i, 0)),
    out_shape=jax.ShapeDtypeStruct((N, D), jnp.float32),
)



def kernel(x, positive_edge_index, W1, b1, W2, b2):
    src = positive_edge_index[0]
    dst = positive_edge_index[1]

    ppt = EPT - E // NW
    pad_idx = jnp.arange(NW * ppt, dtype=jnp.int32).reshape(NW, ppt)
    src_p = jnp.concatenate(
        [src.reshape(NW, E // NW), pad_idx % N], axis=1).reshape(-1)
    dst_p = jnp.concatenate(
        [dst.reshape(NW, E // NW), N + pad_idx % (NP - N)], axis=1).reshape(-1)

    deg_parts = _deg_kernel(dst)
    dinv = _dinv_call(deg_parts)
    dinv_col = dinv[:, None]
    zeros_nd = jnp.zeros((NP, D), jnp.float32)

    g1 = _mm_scale_call(x, W1, dinv_col)
    p1 = _agg_kernel(g1, src_p, dst_p, zeros_nd)
    g2 = _combine_mm_call(p1, g1, dinv_col, b1.reshape(1, D), W2)
    p2 = _agg_kernel(g2, src_p, dst_p, zeros_nd)
    out = _final_call(p2, g2, dinv_col, b2.reshape(1, D))
    return out

# --- scband reference (transcript-rebuilt; emitter-appended) ---
"""Pipeline reference for scband-gcn-5772436046127 (READ-ONLY COPY).

The authoritative reference and input builder live on the scoring server;
editing this copy changes nothing except your own understanding.
"""

import jax, jax.numpy as jnp
import numpy as np

N = 10000
E = 320000
D_IN = 128
D_H = 128
D_OUT = 128


def setup_inputs(seed: int = 0) -> dict:
    key = jax.random.key(seed)
    k1, k2, k3, k4 = jax.random.split(key, 4)
    x = jax.random.normal(k1, (N, D_IN), dtype=jnp.float32)
    edge_index = jax.random.randint(k2, (2, E), 0, N, dtype=jnp.int32)
    W1 = jax.random.normal(k3, (D_IN, D_H), dtype=jnp.float32) * (1.0 / np.sqrt(D_IN))
    b1 = jnp.zeros((D_H,), dtype=jnp.float32)
    W2 = jax.random.normal(k4, (D_H, D_OUT), dtype=jnp.float32) * (1.0 / np.sqrt(D_H))
    b2 = jnp.zeros((D_OUT,), dtype=jnp.float32)
    return {"x": x, "positive_edge_index": edge_index, "W1": W1, "b1": b1, "W2": W2, "b2": b2}


def _gcn_conv(x, edge_index, W, b):
    # Faithful GCNConv: linear transform, add self-loops, symmetric normalization,
    # message = x_j * norm, scatter-add aggregation into dst, then bias.
    n = x.shape[0]
    h = x @ W
    src = edge_index[0]
    dst = edge_index[1]
    loop = jnp.arange(n, dtype=src.dtype)
    src = jnp.concatenate([src, loop], axis=0)
    dst = jnp.concatenate([dst, loop], axis=0)
    deg = jnp.zeros((n,), dtype=h.dtype).at[dst].add(1.0)
    deg_inv_sqrt = jnp.where(deg > 0, jax.lax.rsqrt(jnp.where(deg > 0, deg, 1.0)), 0.0)
    norm = deg_inv_sqrt[src] * deg_inv_sqrt[dst]
    msg = h[src] * norm[:, None]
    out = jnp.zeros((n, h.shape[1]), dtype=h.dtype).at[dst].add(msg)
    return out + b


def reference(x, positive_edge_index, W1, b1, W2, b2):
    h = _gcn_conv(x, positive_edge_index, W1, b1)
    h = jax.nn.relu(h)
    out = _gcn_conv(h, positive_edge_index, W2, b2)
    return out

if __name__ == "__main__":
    import jax
    _d = setup_inputs()
    print(jax.jit(kernel)(*tuple(_d.values())))

</pallas_src>

<mosaic_0001>
#map = affine_map<(d0, d1) -> (0)>
#map1 = affine_map<(d0, d1) -> (0, 0)>
module attributes {stable_mosaic.version = 14 : i64} {
  func.func @_deg_kernel(%arg0: i32, %arg1: i32, %arg2: memref<320000xi32, #tpu.memory_space<hbm>>, %arg3: memref<32x10000xf32, #tpu.memory_space<hbm>>, %arg4: memref<10000xi32, #tpu.memory_space<vmem>>, %arg5: memref<10000xf32, #tpu.memory_space<vmem>>) attributes {dimension_semantics = [#tpu.dimension_semantics<core_parallel>, #tpu.dimension_semantics<subcore_parallel>], iteration_bounds = array<i64: 2, 16>, scalar_prefetch = 0 : i64, scratch_operands = 2 : i64, tpu.core_type = #tpu.core_type<sc_vector_subcore>, window_params = [{transform_indices = #map}, {transform_indices = #map1}]} {
    %mul3A = arith.constant 2 : i32
    %mul3A_0 = arith.muli %arg1, %mul3A : i32
    %add3A = arith.addi %mul3A_0, %arg0 : i32
    %broadcast_in_dim3A = arith.constant 0.000000e+00 : f32
    %broadcast_in_dim3A_1 = vector.broadcast %broadcast_in_dim3A : f32 to vector<16xf32>
    %scan3A = arith.constant 0 : i32
    %scan3A_2 = arith.constant 625 : i32
    %scan3A_3 = arith.addi %scan3A, %scan3A_2 : i32
    %scan3A_4 = arith.constant 1 : i32
    scf.for %scan3A_15 = %scan3A to %scan3A_3 step %scan3A_4  : i32 {
      %mul3A_16 = arith.constant 16 : i32
      %mul3A_17 = arith.muli %scan3A_15, %mul3A_16 : i32
      %add3A_18 = arith.constant 0 : i32
      %add3A_19 = arith.addi %add3A_18, %mul3A_17 : i32
      %swap3A = arith.index_cast %add3A_19 : i32 to index
      %swap3A_20 = tpu.vector_load %arg5[%swap3A] {strides = array<i32>} : memref<10000xf32, #tpu.memory_space<vmem>>, vector<16xf32>,
      tpu.vector_store %arg5[%swap3A], %broadcast_in_dim3A_1 {strides = array<i32>} : memref<10000xf32, #tpu.memory_space<vmem>>, vector<16xf32>,
    }
    %scan3A_5 = arith.constant 625 : i32
    %mul3A_6 = arith.constant 10000 : i32
    %mul3A_7 = arith.muli %add3A, %mul3A_6 : i32
    "tpu.region"() ({
      %run_scoped3A = tpu.sem_alloc : memref<!tpu.dma_semaphore, #tpu.memory_space<semaphore_mem>>
      %dma_start3A = tpu.memref_slice %arg2[%mul3A_7] : memref<320000xi32, #tpu.memory_space<hbm>> -> memref<10000xi32, #tpu.memory_space<hbm>>
      %dma_start3A_15 = tpu.memref_slice %arg2[%mul3A_7] : memref<320000xi32, #tpu.memory_space<hbm>> -> memref<10000xi32, #tpu.memory_space<hbm>>
      tpu.enqueue_dma source(%dma_start3A_15 : memref<10000xi32, #tpu.memory_space<hbm>>) target(%arg4 : memref<10000xi32, #tpu.memory_space<vmem>>) target_semaphore(%run_scoped3A : memref<!tpu.dma_semaphore, #tpu.memory_space<semaphore_mem>>)
      %dma_wait3A = tpu.memref_slice %arg2[%mul3A_7] : memref<320000xi32, #tpu.memory_space<hbm>> -> memref<10000xi32, #tpu.memory_space<hbm>>
      %dma_wait3A_16 = tpu.memref_slice %arg2[%mul3A_7] : memref<320000xi32, #tpu.memory_space<hbm>> -> memref<10000xi32, #tpu.memory_space<hbm>>
      tpu.wait_dma2 semaphore(%run_scoped3A : memref<!tpu.dma_semaphore, #tpu.memory_space<semaphore_mem>>) src(%dma_wait3A_16 : memref<10000xi32, #tpu.memory_space<hbm>>) dst(%arg4 : memref<10000xi32, #tpu.memory_space<vmem>>)
      tpu.yield
    }) : () -> ()
    %broadcast_in_dim3A_8 = arith.constant 1.000000e+00 : f32
    %broadcast_in_dim3A_9 = vector.broadcast %broadcast_in_dim3A_8 : f32 to vector<16xf32>
    %scan3A_10 = arith.constant 0 : i32
    %scan3A_11 = arith.constant 625 : i32
    %scan3A_12 = arith.addi %scan3A_10, %scan3A_11 : i32
    %scan3A_13 = arith.constant 1 : i32
    scf.for %scan3A_15 = %scan3A_10 to %scan3A_12 step %scan3A_13  : i32 {
      %mul3A_16 = arith.constant 16 : i32
      %mul3A_17 = arith.muli %scan3A_15, %mul3A_16 : i32
      %add3A_18 = arith.constant 0 : i32
      %add3A_19 = arith.addi %add3A_18, %mul3A_17 : i32
      %get3A = arith.index_cast %add3A_19 : i32 to index
      %get3A_20 = tpu.vector_load %arg4[%get3A] {strides = array<i32>} : memref<10000xi32, #tpu.memory_space<vmem>>, vector<16xi32>,
      tpu.vector_store_idx %arg5[%get3A_20], %broadcast_in_dim3A_9 {add = true} : memref<10000xf32, #tpu.memory_space<vmem>>[vector<16xi32>], vector<16xf32>,
    }
    %scan3A_14 = arith.constant 625 : i32
    "tpu.region"() ({
      %run_scoped3A = tpu.sem_alloc : memref<!tpu.dma_semaphore, #tpu.memory_space<semaphore_mem>>
      %dma_start3A = arith.constant 0 : i32
      %dma_start3A_15 = tpu.memref_slice %arg3[%add3A, %dma_start3A] : memref<32x10000xf32, #tpu.memory_space<hbm>> -> memref<1x10000xf32, #tpu.memory_space<hbm>>
      %dma_start3A_16 = tpu.memref_squeeze %dma_start3A_15 : memref<1x10000xf32, #tpu.memory_space<hbm>> -> memref<10000xf32, #tpu.memory_space<hbm>>
      %dma_start3A_17 = arith.constant 0 : i32
      %dma_start3A_18 = tpu.memref_slice %arg3[%add3A, %dma_start3A_17] : memref<32x10000xf32, #tpu.memory_space<hbm>> -> memref<1x10000xf32, #tpu.memory_space<hbm>>
      %dma_start3A_19 = tpu.memref_squeeze %dma_start3A_18 : memref<1x10000xf32, #tpu.memory_space<hbm>> -> memref<10000xf32, #tpu.memory_space<hbm>>
      tpu.enqueue_dma source(%arg5 : memref<10000xf32, #tpu.memory_space<vmem>>) target(%dma_start3A_19 : memref<10000xf32, #tpu.memory_space<hbm>>) target_semaphore(%run_scoped3A : memref<!tpu.dma_semaphore, #tpu.memory_space<semaphore_mem>>)
      %dma_wait3A = arith.constant 0 : i32
      %dma_wait3A_20 = tpu.memref_slice %arg3[%add3A, %dma_wait3A] : memref<32x10000xf32, #tpu.memory_space<hbm>> -> memref<1x10000xf32, #tpu.memory_space<hbm>>
      %dma_wait3A_21 = tpu.memref_squeeze %dma_wait3A_20 : memref<1x10000xf32, #tpu.memory_space<hbm>> -> memref<10000xf32, #tpu.memory_space<hbm>>
      %dma_wait3A_22 = arith.constant 0 : i32
      %dma_wait3A_23 = tpu.memref_slice %arg3[%add3A, %dma_wait3A_22] : memref<32x10000xf32, #tpu.memory_space<hbm>> -> memref<1x10000xf32, #tpu.memory_space<hbm>>
      %dma_wait3A_24 = tpu.memref_squeeze %dma_wait3A_23 : memref<1x10000xf32, #tpu.memory_space<hbm>> -> memref<10000xf32, #tpu.memory_space<hbm>>
      tpu.wait_dma2 semaphore(%run_scoped3A : memref<!tpu.dma_semaphore, #tpu.memory_space<semaphore_mem>>) src(%arg5 : memref<10000xf32, #tpu.memory_space<vmem>>) dst(%dma_wait3A_24 : memref<10000xf32, #tpu.memory_space<hbm>>)
      tpu.yield
    }) : () -> ()
    return
  }
}

#map = affine_map<(d0, d1) -> (0, 0)>
#map1 = affine_map<(d0, d1) -> (0)>
#map2 = affine_map<(d0, d1) -> (0, 0, 0)>
module attributes {stable_mosaic.version = 14 : i64} {
  func.func @_agg_kernel(%arg0: i32, %arg1: i32, %arg2: memref<10000x128xf32, #tpu.memory_space<hbm>>, %arg3: memref<326656xi32, #tpu.memory_space<hbm>>, %arg4: memref<326656xi32, #tpu.memory_space<hbm>>, %arg5: memref<10112x128xf32, #tpu.memory_space<hbm>>, %arg6: memref<2x10112x128xf32, #tpu.memory_space<hbm>>, %arg7: memref<176xi32, #tpu.memory_space<vmem>>, %arg8: memref<176xi32, #tpu.memory_space<vmem>>, %arg9: memref<176xi32, #tpu.memory_space<vmem>>, %arg10: memref<176xi32, #tpu.memory_space<vmem>>, %arg11: memref<176x128xf32, #tpu.memory_space<vmem>>, %arg12: memref<176x128xf32, #tpu.memory_space<vmem>>, %arg13: memref<10112x128xf32, #tpu.memory_space<vmem_shared>>, %arg14: memref<!tpu.dma_semaphore, #tpu.memory_space<semaphore_mem>>, %arg15: memref<!tpu.dma_semaphore, #tpu.memory_space<semaphore_mem>>, %arg16: memref<!tpu.dma_semaphore, #tpu.memory_space<semaphore_mem>>, %arg17: memref<!tpu.dma_semaphore, #tpu.memory_space<semaphore_mem>>) attributes {dimension_semantics = [#tpu.dimension_semantics<core_parallel>, #tpu.dimension_semantics<subcore_parallel>], iteration_bounds = array<i64: 2, 16>, scalar_prefetch = 0 : i64, scratch_operands = 11 : i64, tpu.core_type = #tpu.core_type<sc_vector_subcore>, window_params = [{transform_indices = #map}, {transform_indices = #map1}, {transform_indices = #map1}, {transform_indices = #map}, {transform_indices = #map2}]} {
    %mul3A = arith.constant 2 : i32
    %mul3A_0 = arith.muli %arg1, %mul3A : i32
    %add3A = arith.addi %mul3A_0, %arg0 : i32
    %mul3A_1 = arith.constant 10208 : i32
    %mul3A_2 = arith.muli %add3A, %mul3A_1 : i32
    %mul3A_3 = arith.constant 632 : i32
    %mul3A_4 = arith.muli %arg1, %mul3A_3 : i32
    %mul3A_5 = arith.constant 632 : i32
    %mul3A_6 = arith.muli %arg1, %mul3A_5 : i32
    "tpu.region"() ({
      %run_scoped3A = tpu.sem_alloc : memref<!tpu.dma_semaphore, #tpu.memory_space<semaphore_mem>>
      %dma_start3A_22 = arith.constant 0 : i32
      %dma_start3A_23 = tpu.memref_slice %arg13[%mul3A_6, %dma_start3A_22] : memref<10112x128xf32, #tpu.memory_space<vmem_shared>> -> memref<632x128xf32, #tpu.memory_space<vmem_shared>>
      %dma_start3A_24 = arith.constant 0 : i32
      %dma_start3A_25 = tpu.memref_slice %arg5[%mul3A_4, %dma_start3A_24] : memref<10112x128xf32, #tpu.memory_space<hbm>> -> memref<632x128xf32, #tpu.memory_space<hbm>>
      tpu.enqueue_dma source(%dma_start3A_25 : memref<632x128xf32, #tpu.memory_space<hbm>>) target(%dma_start3A_23 : memref<632x128xf32, #tpu.memory_space<vmem_shared>>) target_semaphore(%run_scoped3A : memref<!tpu.dma_semaphore, #tpu.memory_space<semaphore_mem>>)
      %dma_wait3A = arith.constant 0 : i32
      %dma_wait3A_26 = tpu.memref_slice %arg13[%mul3A_6, %dma_wait3A] : memref<10112x128xf32, #tpu.memory_space<vmem_shared>> -> memref<632x128xf32, #tpu.memory_space<vmem_shared>>
      %dma_wait3A_27 = arith.constant 0 : i32
      %dma_wait3A_28 = tpu.memref_slice %arg5[%mul3A_4, %dma_wait3A_27] : memref<10112x128xf32, #tpu.memory_space<hbm>> -> memref<632x128xf32, #tpu.memory_space<hbm>>
      tpu.wait_dma2 semaphore(%run_scoped3A : memref<!tpu.dma_semaphore, #tpu.memory_space<semaphore_mem>>) src(%dma_wait3A_28 : memref<632x128xf32, #tpu.memory_space<hbm>>) dst(%dma_wait3A_26 : memref<632x128xf32, #tpu.memory_space<vmem_shared>>)
      tpu.yield
    }) : () -> ()
    %barrier3A = arith.constant 0 : index
    tpu.barrier barrier_id(%barrier3A)
    "tpu.region"() ({
      %run_scoped3A = tpu.sem_alloc : memref<!tpu.dma_semaphore, #tpu.memory_space<semaphore_mem>>
      %dma_start3A_22 = tpu.memref_slice %arg3[%mul3A_2] : memref<326656xi32, #tpu.memory_space<hbm>> -> memref<176xi32, #tpu.memory_space<hbm>>
      %dma_start3A_23 = tpu.memref_slice %arg3[%mul3A_2] : memref<326656xi32, #tpu.memory_space<hbm>> -> memref<176xi32, #tpu.memory_space<hbm>>
      tpu.enqueue_dma source(%dma_start3A_23 : memref<176xi32, #tpu.memory_space<hbm>>) target(%arg7 : memref<176xi32, #tpu.memory_space<vmem>>) target_semaphore(%run_scoped3A : memref<!tpu.dma_semaphore, #tpu.memory_space<semaphore_mem>>)
      %dma_wait3A = tpu.memref_slice %arg3[%mul3A_2] : memref<326656xi32, #tpu.memory_space<hbm>> -> memref<176xi32, #tpu.memory_space<hbm>>
      %dma_wait3A_24 = tpu.memref_slice %arg3[%mul3A_2] : memref<326656xi32, #tpu.memory_space<hbm>> -> memref<176xi32, #tpu.memory_space<hbm>>
      tpu.wait_dma2 semaphore(%run_scoped3A : memref<!tpu.dma_semaphore, #tpu.memory_space<semaphore_mem>>) src(%dma_wait3A_24 : memref<176xi32, #tpu.memory_space<hbm>>) dst(%arg7 : memref<176xi32, #tpu.memory_space<vmem>>)
      tpu.yield
    }) : () -> ()
    "tpu.region"() ({
      %run_scoped3A = tpu.sem_alloc : memref<!tpu.dma_semaphore, #tpu.memory_space<semaphore_mem>>
      %dma_start3A_22 = tpu.memref_slice %arg4[%mul3A_2] : memref<326656xi32, #tpu.memory_space<hbm>> -> memref<176xi32, #tpu.memory_space<hbm>>
      %dma_start3A_23 = tpu.memref_slice %arg4[%mul3A_2] : memref<326656xi32, #tpu.memory_space<hbm>> -> memref<176xi32, #tpu.memory_space<hbm>>
      tpu.enqueue_dma source(%dma_start3A_23 : memref<176xi32, #tpu.memory_space<hbm>>) target(%arg8 : memref<176xi32, #tpu.memory_space<vmem>>) target_semaphore(%run_scoped3A : memref<!tpu.dma_semaphore, #tpu.memory_space<semaphore_mem>>)
      %dma_wait3A = tpu.memref_slice %arg4[%mul3A_2] : memref<326656xi32, #tpu.memory_space<hbm>> -> memref<176xi32, #tpu.memory_space<hbm>>
      %dma_wait3A_24 = tpu.memref_slice %arg4[%mul3A_2] : memref<326656xi32, #tpu.memory_space<hbm>> -> memref<176xi32, #tpu.memory_space<hbm>>
      tpu.wait_dma2 semaphore(%run_scoped3A : memref<!tpu.dma_semaphore, #tpu.memory_space<semaphore_mem>>) src(%dma_wait3A_24 : memref<176xi32, #tpu.memory_space<hbm>>) dst(%arg8 : memref<176xi32, #tpu.memory_space<vmem>>)
      tpu.yield
    }) : () -> ()
    %dma_start3A = arith.constant 0 : i32
    %dma_start3A_7 = arith.constant 0 : i32
    %dma_start3A_8 = tpu.memref_slice %arg2[%dma_start3A, %dma_start3A_7] : memref<10000x128xf32, #tpu.memory_space<hbm>> -> memref<10000x128xf32, #tpu.memory_space<hbm>>
    tpu.enqueue_indirect_dma source(%dma_start3A_8 : memref<10000x128xf32, #tpu.memory_space<hbm>>) target(%arg11 : memref<176x128xf32, #tpu.memory_space<vmem>>) offsets(%arg7 : memref<176xi32, #tpu.memory_space<vmem>>) semaphore(%arg14 : memref<!tpu.dma_semaphore, #tpu.memory_space<semaphore_mem>>)
    %add3A_9 = arith.constant 176 : i32
    %add3A_10 = arith.addi %mul3A_2, %add3A_9 : i32
    "tpu.region"() ({
      %run_scoped3A = tpu.sem_alloc : memref<!tpu.dma_semaphore, #tpu.memory_space<semaphore_mem>>
      %dma_start3A_22 = tpu.memref_slice %arg3[%add3A_10] : memref<326656xi32, #tpu.memory_space<hbm>> -> memref<176xi32, #tpu.memory_space<hbm>>
      %dma_start3A_23 = tpu.memref_slice %arg3[%add3A_10] : memref<326656xi32, #tpu.memory_space<hbm>> -> memref<176xi32, #tpu.memory_space<hbm>>
      tpu.enqueue_dma source(%dma_start3A_23 : memref<176xi32, #tpu.memory_space<hbm>>) target(%arg9 : memref<176xi32, #tpu.memory_space<vmem>>) target_semaphore(%run_scoped3A : memref<!tpu.dma_semaphore, #tpu.memory_space<semaphore_mem>>)
      %dma_wait3A = tpu.memref_slice %arg3[%add3A_10] : memref<326656xi32, #tpu.memory_space<hbm>> -> memref<176xi32, #tpu.memory_space<hbm>>
      %dma_wait3A_24 = tpu.memref_slice %arg3[%add3A_10] : memref<326656xi32, #tpu.memory_space<hbm>> -> memref<176xi32, #tpu.memory_space<hbm>>
      tpu.wait_dma2 semaphore(%run_scoped3A : memref<!tpu.dma_semaphore, #tpu.memory_space<semaphore_mem>>) src(%dma_wait3A_24 : memref<176xi32, #tpu.memory_space<hbm>>) dst(%arg9 : memref<176xi32, #tpu.memory_space<vmem>>)
      tpu.yield
    }) : () -> ()
    %add3A_11 = arith.constant 176 : i32
    %add3A_12 = arith.addi %mul3A_2, %add3A_11 : i32
    "tpu.region"() ({
      %run_scoped3A = tpu.sem_alloc : memref<!tpu.dma_semaphore, #tpu.memory_space<semaphore_mem>>
      %dma_start3A_22 = tpu.memref_slice %arg4[%add3A_12] : memref<326656xi32, #tpu.memory_space<hbm>> -> memref<176xi32, #tpu.memory_space<hbm>>
      %dma_start3A_23 = tpu.memref_slice %arg4[%add3A_12] : memref<326656xi32, #tpu.memory_space<hbm>> -> memref<176xi32, #tpu.memory_space<hbm>>
      tpu.enqueue_dma source(%dma_start3A_23 : memref<176xi32, #tpu.memory_space<hbm>>) target(%arg10 : memref<176xi32, #tpu.memory_space<vmem>>) target_semaphore(%run_scoped3A : memref<!tpu.dma_semaphore, #tpu.memory_space<semaphore_mem>>)
      %dma_wait3A = tpu.memref_slice %arg4[%add3A_12] : memref<326656xi32, #tpu.memory_space<hbm>> -> memref<176xi32, #tpu.memory_space<hbm>>
      %dma_wait3A_24 = tpu.memref_slice %arg4[%add3A_12] : memref<326656xi32, #tpu.memory_space<hbm>> -> memref<176xi32, #tpu.memory_space<hbm>>
      tpu.wait_dma2 semaphore(%run_scoped3A : memref<!tpu.dma_semaphore, #tpu.memory_space<semaphore_mem>>) src(%dma_wait3A_24 : memref<176xi32, #tpu.memory_space<hbm>>) dst(%arg10 : memref<176xi32, #tpu.memory_space<vmem>>)
      tpu.yield
    }) : () -> ()
    %scan3A = arith.constant 0 : i32
    %scan3A_13 = arith.constant 29 : i32
    %scan3A_14 = arith.addi %scan3A, %scan3A_13 : i32
    %scan3A_15 = arith.constant 1 : i32
    scf.for %scan3A_22 = %scan3A to %scan3A_14 step %scan3A_15  : i32 {
      %mul3A_23 = arith.constant 1 : i32
      %mul3A_24 = arith.muli %scan3A_22, %mul3A_23 : i32
      %add3A_25 = arith.constant 0 : i32
      %add3A_26 = arith.addi %add3A_25, %mul3A_24 : i32
      %mul3A_27 = arith.constant 2 : i32
      %mul3A_28 = arith.muli %mul3A_27, %add3A_26 : i32
      %lt3A = arith.constant 28 : i32
      %lt3A_29 = arith.cmpi slt, %add3A_26, %lt3A : i32
      %dma_start3A_30 = arith.constant 0 : i32
      %dma_start3A_31 = arith.constant 0 : i32
      %dma_start3A_32 = tpu.memref_slice %arg2[%dma_start3A_30, %dma_start3A_31] : memref<10000x128xf32, #tpu.memory_space<hbm>> -> memref<10000x128xf32, #tpu.memory_space<hbm>>
      tpu.enqueue_indirect_dma source(%dma_start3A_32 : memref<10000x128xf32, #tpu.memory_space<hbm>>) target(%arg12 : memref<176x128xf32, #tpu.memory_space<vmem>>) offsets(%arg9 : memref<176xi32, #tpu.memory_space<vmem>>) semaphore(%arg15 : memref<!tpu.dma_semaphore, #tpu.memory_space<semaphore_mem>>)
      %dma_wait3A = arith.constant 0 : i32
      %dma_wait3A_33 = arith.constant 0 : i32
      %dma_wait3A_34 = tpu.memref_slice %arg2[%dma_wait3A, %dma_wait3A_33] : memref<10000x128xf32, #tpu.memory_space<hbm>> -> memref<10000x128xf32, #tpu.memory_space<hbm>>
      tpu.wait_indirect_dma semaphore(%arg14 : memref<!tpu.dma_semaphore, #tpu.memory_space<semaphore_mem>>) src(%dma_wait3A_34 : memref<10000x128xf32, #tpu.memory_space<hbm>>) dst(%arg11 : memref<176x128xf32, #tpu.memory_space<vmem>>)
      %dma_start3A_35 = arith.constant 0 : i32
      %dma_start3A_36 = arith.constant 0 : i32
      %dma_start3A_37 = tpu.memref_slice %arg13[%dma_start3A_35, %dma_start3A_36] : memref<10112x128xf32, #tpu.memory_space<vmem_shared>> -> memref<10112x128xf32, #tpu.memory_space<vmem_shared>>
      tpu.enqueue_indirect_dma source(%arg11 : memref<176x128xf32, #tpu.memory_space<vmem>>) target(%dma_start3A_37 : memref<10112x128xf32, #tpu.memory_space<vmem_shared>>) offsets(%arg8 : memref<176xi32, #tpu.memory_space<vmem>>) semaphore(%arg16 : memref<!tpu.dma_semaphore, #tpu.memory_space<semaphore_mem>>) {add = true}
      %dma_wait3A_38 = arith.constant 0 : i32
      %dma_wait3A_39 = arith.constant 0 : i32
      %dma_wait3A_40 = tpu.memref_slice %arg13[%dma_wait3A_38, %dma_wait3A_39] : memref<10112x128xf32, #tpu.memory_space<vmem_shared>> -> memref<10112x128xf32, #tpu.memory_space<vmem_shared>>
      tpu.wait_indirect_dma semaphore(%arg16 : memref<!tpu.dma_semaphore, #tpu.memory_space<semaphore_mem>>) src(%arg11 : memref<176x128xf32, #tpu.memory_space<vmem>>) dst(%dma_wait3A_40 : memref<10112x128xf32, #tpu.memory_space<vmem_shared>>)
      %convert_element_type3A = arith.extui %lt3A_29 : i1 to i32
      %cond3A = arith.constant 0 : i32
      %cond3A_41 = arith.cmpi ne, %convert_element_type3A, %cond3A : i32
      scf.if %cond3A_41 {
        %add3A_57 = arith.constant 2 : i32
        %add3A_58 = arith.addi %mul3A_28, %add3A_57 : i32
        %mul3A_59 = arith.constant 176 : i32
        %mul3A_60 = arith.muli %add3A_58, %mul3A_59 : i32
        %add3A_61 = arith.addi %mul3A_2, %mul3A_60 : i32
        "tpu.region"() ({
          %run_scoped3A = tpu.sem_alloc : memref<!tpu.dma_semaphore, #tpu.memory_space<semaphore_mem>>
          %dma_start3A_62 = tpu.memref_slice %arg3[%add3A_61] : memref<326656xi32, #tpu.memory_space<hbm>> -> memref<176xi32, #tpu.memory_space<hbm>>
          %dma_start3A_63 = tpu.memref_slice %arg3[%add3A_61] : memref<326656xi32, #tpu.memory_space<hbm>> -> memref<176xi32, #tpu.memory_space<hbm>>
          tpu.enqueue_dma source(%dma_start3A_63 : memref<176xi32, #tpu.memory_space<hbm>>) target(%arg7 : memref<176xi32, #tpu.memory_space<vmem>>) target_semaphore(%run_scoped3A : memref<!tpu.dma_semaphore, #tpu.memory_space<semaphore_mem>>)
          %dma_wait3A_64 = tpu.memref_slice %arg3[%add3A_61] : memref<326656xi32, #tpu.memory_space<hbm>> -> memref<176xi32, #tpu.memory_space<hbm>>
          %dma_wait3A_65 = tpu.memref_slice %arg3[%add3A_61] : memref<326656xi32, #tpu.memory_space<hbm>> -> memref<176xi32, #tpu.memory_space<hbm>>
          tpu.wait_dma2 semaphore(%run_scoped3A : memref<!tpu.dma_semaphore, #tpu.memory_space<semaphore_mem>>) src(%dma_wait3A_65 : memref<176xi32, #tpu.memory_space<hbm>>) dst(%arg7 : memref<176xi32, #tpu.memory_space<vmem>>)
          tpu.yield
        }) : () -> ()
        "tpu.region"() ({
          %run_scoped3A = tpu.sem_alloc : memref<!tpu.dma_semaphore, #tpu.memory_space<semaphore_mem>>
          %dma_start3A_62 = tpu.memref_slice %arg4[%add3A_61] : memref<326656xi32, #tpu.memory_space<hbm>> -> memref<176xi32, #tpu.memory_space<hbm>>
          %dma_start3A_63 = tpu.memref_slice %arg4[%add3A_61] : memref<326656xi32, #tpu.memory_space<hbm>> -> memref<176xi32, #tpu.memory_space<hbm>>
          tpu.enqueue_dma source(%dma_start3A_63 : memref<176xi32, #tpu.memory_space<hbm>>) target(%arg8 : memref<176xi32, #tpu.memory_space<vmem>>) target_semaphore(%run_scoped3A : memref<!tpu.dma_semaphore, #tpu.memory_space<semaphore_mem>>)
          %dma_wait3A_64 = tpu.memref_slice %arg4[%add3A_61] : memref<326656xi32, #tpu.memory_space<hbm>> -> memref<176xi32, #tpu.memory_space<hbm>>
          %dma_wait3A_65 = tpu.memref_slice %arg4[%add3A_61] : memref<326656xi32, #tpu.memory_space<hbm>> -> memref<176xi32, #tpu.memory_space<hbm>>
          tpu.wait_dma2 semaphore(%run_scoped3A : memref<!tpu.dma_semaphore, #tpu.memory_space<semaphore_mem>>) src(%dma_wait3A_65 : memref<176xi32, #tpu.memory_space<hbm>>) dst(%arg8 : memref<176xi32, #tpu.memory_space<vmem>>)
          tpu.yield
        }) : () -> ()
      } else {
      }
      %dma_wait3A_42 = arith.constant 0 : i32
      %dma_wait3A_43 = arith.constant 0 : i32
      %dma_wait3A_44 = tpu.memref_slice %arg2[%dma_wait3A_42, %dma_wait3A_43] : memref<10000x128xf32, #tpu.memory_space<hbm>> -> memref<10000x128xf32, #tpu.memory_space<hbm>>
      tpu.wait_indirect_dma semaphore(%arg15 : memref<!tpu.dma_semaphore, #tpu.memory_space<semaphore_mem>>) src(%dma_wait3A_44 : memref<10000x128xf32, #tpu.memory_space<hbm>>) dst(%arg12 : memref<176x128xf32, #tpu.memory_space<vmem>>)
      %dma_start3A_45 = arith.constant 0 : i32
      %dma_start3A_46 = arith.constant 0 : i32
      %dma_start3A_47 = tpu.memref_slice %arg13[%dma_start3A_45, %dma_start3A_46] : memref<10112x128xf32, #tpu.memory_space<vmem_shared>> -> memref<10112x128xf32, #tpu.memory_space<vmem_shared>>
      tpu.enqueue_indirect_dma source(%arg12 : memref<176x128xf32, #tpu.memory_space<vmem>>) target(%dma_start3A_47 : memref<10112x128xf32, #tpu.memory_space<vmem_shared>>) offsets(%arg10 : memref<176xi32, #tpu.memory_space<vmem>>) semaphore(%arg17 : memref<!tpu.dma_semaphore, #tpu.memory_space<semaphore_mem>>) {add = true}
      %convert_element_type3A_48 = arith.extui %lt3A_29 : i1 to i32
      %cond3A_49 = arith.constant 0 : i32
      %cond3A_50 = arith.cmpi ne, %convert_element_type3A_48, %cond3A_49 : i32
      scf.if %cond3A_50 {
        %dma_start3A_57 = arith.constant 0 : i32
        %dma_start3A_58 = arith.constant 0 : i32
        %dma_start3A_59 = tpu.memref_slice %arg2[%dma_start3A_57, %dma_start3A_58] : memref<10000x128xf32, #tpu.memory_space<hbm>> -> memref<10000x128xf32, #tpu.memory_space<hbm>>
        tpu.enqueue_indirect_dma source(%dma_start3A_59 : memref<10000x128xf32, #tpu.memory_space<hbm>>) target(%arg11 : memref<176x128xf32, #tpu.memory_space<vmem>>) offsets(%arg7 : memref<176xi32, #tpu.memory_space<vmem>>) semaphore(%arg14 : memref<!tpu.dma_semaphore, #tpu.memory_space<semaphore_mem>>)
      } else {
      }
      %dma_wait3A_51 = arith.constant 0 : i32
      %dma_wait3A_52 = arith.constant 0 : i32
      %dma_wait3A_53 = tpu.memref_slice %arg13[%dma_wait3A_51, %dma_wait3A_52] : memref<10112x128xf32, #tpu.memory_space<vmem_shared>> -> memref<10112x128xf32, #tpu.memory_space<vmem_shared>>
      tpu.wait_indirect_dma semaphore(%arg17 : memref<!tpu.dma_semaphore, #tpu.memory_space<semaphore_mem>>) src(%arg12 : memref<176x128xf32, #tpu.memory_space<vmem>>) dst(%dma_wait3A_53 : memref<10112x128xf32, #tpu.memory_space<vmem_shared>>)
      %convert_element_type3A_54 = arith.extui %lt3A_29 : i1 to i32
      %cond3A_55 = arith.constant 0 : i32
      %cond3A_56 = arith.cmpi ne, %convert_element_type3A_54, %cond3A_55 : i32
      scf.if %cond3A_56 {
        %add3A_57 = arith.constant 3 : i32
        %add3A_58 = arith.addi %mul3A_28, %add3A_57 : i32
        %mul3A_59 = arith.constant 176 : i32
        %mul3A_60 = arith.muli %add3A_58, %mul3A_59 : i32
        %add3A_61 = arith.addi %mul3A_2, %mul3A_60 : i32
        "tpu.region"() ({
          %run_scoped3A = tpu.sem_alloc : memref<!tpu.dma_semaphore, #tpu.memory_space<semaphore_mem>>
          %dma_start3A_62 = tpu.memref_slice %arg3[%add3A_61] : memref<326656xi32, #tpu.memory_space<hbm>> -> memref<176xi32, #tpu.memory_space<hbm>>
          %dma_start3A_63 = tpu.memref_slice %arg3[%add3A_61] : memref<326656xi32, #tpu.memory_space<hbm>> -> memref<176xi32, #tpu.memory_space<hbm>>
          tpu.enqueue_dma source(%dma_start3A_63 : memref<176xi32, #tpu.memory_space<hbm>>) target(%arg9 : memref<176xi32, #tpu.memory_space<vmem>>) target_semaphore(%run_scoped3A : memref<!tpu.dma_semaphore, #tpu.memory_space<semaphore_mem>>)
          %dma_wait3A_64 = tpu.memref_slice %arg3[%add3A_61] : memref<326656xi32, #tpu.memory_space<hbm>> -> memref<176xi32, #tpu.memory_space<hbm>>
          %dma_wait3A_65 = tpu.memref_slice %arg3[%add3A_61] : memref<326656xi32, #tpu.memory_space<hbm>> -> memref<176xi32, #tpu.memory_space<hbm>>
          tpu.wait_dma2 semaphore(%run_scoped3A : memref<!tpu.dma_semaphore, #tpu.memory_space<semaphore_mem>>) src(%dma_wait3A_65 : memref<176xi32, #tpu.memory_space<hbm>>) dst(%arg9 : memref<176xi32, #tpu.memory_space<vmem>>)
          tpu.yield
        }) : () -> ()
        "tpu.region"() ({
          %run_scoped3A = tpu.sem_alloc : memref<!tpu.dma_semaphore, #tpu.memory_space<semaphore_mem>>
          %dma_start3A_62 = tpu.memref_slice %arg4[%add3A_61] : memref<326656xi32, #tpu.memory_space<hbm>> -> memref<176xi32, #tpu.memory_space<hbm>>
          %dma_start3A_63 = tpu.memref_slice %arg4[%add3A_61] : memref<326656xi32, #tpu.memory_space<hbm>> -> memref<176xi32, #tpu.memory_space<hbm>>
          tpu.enqueue_dma source(%dma_start3A_63 : memref<176xi32, #tpu.memory_space<hbm>>) target(%arg10 : memref<176xi32, #tpu.memory_space<vmem>>) target_semaphore(%run_scoped3A : memref<!tpu.dma_semaphore, #tpu.memory_space<semaphore_mem>>)
          %dma_wait3A_64 = tpu.memref_slice %arg4[%add3A_61] : memref<326656xi32, #tpu.memory_space<hbm>> -> memref<176xi32, #tpu.memory_space<hbm>>
          %dma_wait3A_65 = tpu.memref_slice %arg4[%add3A_61] : memref<326656xi32, #tpu.memory_space<hbm>> -> memref<176xi32, #tpu.memory_space<hbm>>
          tpu.wait_dma2 semaphore(%run_scoped3A : memref<!tpu.dma_semaphore, #tpu.memory_space<semaphore_mem>>) src(%dma_wait3A_65 : memref<176xi32, #tpu.memory_space<hbm>>) dst(%arg10 : memref<176xi32, #tpu.memory_space<vmem>>)
          tpu.yield
        }) : () -> ()
      } else {
      }
    }
    %scan3A_16 = arith.constant 29 : i32
    %barrier3A_17 = arith.constant 0 : index
    tpu.barrier barrier_id(%barrier3A_17)
    %mul3A_18 = arith.constant 632 : i32
    %mul3A_19 = arith.muli %arg1, %mul3A_18 : i32
    %mul3A_20 = arith.constant 632 : i32
    %mul3A_21 = arith.muli %arg1, %mul3A_20 : i32
    "tpu.region"() ({
      %run_scoped3A = tpu.sem_alloc : memref<!tpu.dma_semaphore, #tpu.memory_space<semaphore_mem>>
      %dma_start3A_22 = arith.constant 0 : i32
      %dma_start3A_23 = tpu.memref_slice %arg6[%arg0, %mul3A_21, %dma_start3A_22] : memref<2x10112x128xf32, #tpu.memory_space<hbm>> -> memref<1x632x128xf32, #tpu.memory_space<hbm>>
      %dma_start3A_24 = tpu.memref_squeeze %dma_start3A_23 : memref<1x632x128xf32, #tpu.memory_space<hbm>> -> memref<632x128xf32, #tpu.memory_space<hbm>>
      %dma_start3A_25 = arith.constant 0 : i32
      %dma_start3A_26 = tpu.memref_slice %arg13[%mul3A_19, %dma_start3A_25] : memref<10112x128xf32, #tpu.memory_space<vmem_shared>> -> memref<632x128xf32, #tpu.memory_space<vmem_shared>>
      tpu.enqueue_dma source(%dma_start3A_26 : memref<632x128xf32, #tpu.memory_space<vmem_shared>>) target(%dma_start3A_24 : memref<632x128xf32, #tpu.memory_space<hbm>>) target_semaphore(%run_scoped3A : memref<!tpu.dma_semaphore, #tpu.memory_space<semaphore_mem>>)
      %dma_wait3A = arith.constant 0 : i32
      %dma_wait3A_27 = tpu.memref_slice %arg6[%arg0, %mul3A_21, %dma_wait3A] : memref<2x10112x128xf32, #tpu.memory_space<hbm>> -> memref<1x632x128xf32, #tpu.memory_space<hbm>>
      %dma_wait3A_28 = tpu.memref_squeeze %dma_wait3A_27 : memref<1x632x128xf32, #tpu.memory_space<hbm>> -> memref<632x128xf32, #tpu.memory_space<hbm>>
      %dma_wait3A_29 = arith.constant 0 : i32
      %dma_wait3A_30 = tpu.memref_slice %arg13[%mul3A_19, %dma_wait3A_29] : memref<10112x128xf32, #tpu.memory_space<vmem_shared>> -> memref<632x128xf32, #tpu.memory_space<vmem_shared>>
      tpu.wait_dma2 semaphore(%run_scoped3A : memref<!tpu.dma_semaphore, #tpu.memory_space<semaphore_mem>>) src(%dma_wait3A_30 : memref<632x128xf32, #tpu.memory_space<vmem_shared>>) dst(%dma_wait3A_28 : memref<632x128xf32, #tpu.memory_space<hbm>>)
      tpu.yield
    }) : () -> ()
    return
  }
}

#map = affine_map<(d0, d1) -> (0, 0)>
#map1 = affine_map<(d0, d1) -> (0)>
#map2 = affine_map<(d0, d1) -> (0, 0, 0)>
module attributes {stable_mosaic.version = 14 : i64} {
  func.func @_agg_kernel(%arg0: i32, %arg1: i32, %arg2: memref<10000x128xf32, #tpu.memory_space<hbm>>, %arg3: memref<326656xi32, #tpu.memory_space<hbm>>, %arg4: memref<326656xi32, #tpu.memory_space<hbm>>, %arg5: memref<10112x128xf32, #tpu.memory_space<hbm>>, %arg6: memref<2x10112x128xf32, #tpu.memory_space<hbm>>, %arg7: memref<176xi32, #tpu.memory_space<vmem>>, %arg8: memref<176xi32, #tpu.memory_space<vmem>>, %arg9: memref<176xi32, #tpu.memory_space<vmem>>, %arg10: memref<176xi32, #tpu.memory_space<vmem>>, %arg11: memref<176x128xf32, #tpu.memory_space<vmem>>, %arg12: memref<176x128xf32, #tpu.memory_space<vmem>>, %arg13: memref<10112x128xf32, #tpu.memory_space<vmem_shared>>, %arg14: memref<!tpu.dma_semaphore, #tpu.memory_space<semaphore_mem>>, %arg15: memref<!tpu.dma_semaphore, #tpu.memory_space<semaphore_mem>>, %arg16: memref<!tpu.dma_semaphore, #tpu.memory_space<semaphore_mem>>, %arg17: memref<!tpu.dma_semaphore, #tpu.memory_space<semaphore_mem>>) attributes {dimension_semantics = [#tpu.dimension_semantics<core_parallel>, #tpu.dimension_semantics<subcore_parallel>], iteration_bounds = array<i64: 2, 16>, scalar_prefetch = 0 : i64, scratch_operands = 11 : i64, tpu.core_type = #tpu.core_type<sc_vector_subcore>, window_params = [{transform_indices = #map}, {transform_indices = #map1}, {transform_indices = #map1}, {transform_indices = #map}, {transform_indices = #map2}]} {
    %mul3A = arith.constant 2 : i32
    %mul3A_0 = arith.muli %arg1, %mul3A : i32
    %add3A = arith.addi %mul3A_0, %arg0 : i32
    %mul3A_1 = arith.constant 10208 : i32
    %mul3A_2 = arith.muli %add3A, %mul3A_1 : i32
    %mul3A_3 = arith.constant 632 : i32
    %mul3A_4 = arith.muli %arg1, %mul3A_3 : i32
    %mul3A_5 = arith.constant 632 : i32
    %mul3A_6 = arith.muli %arg1, %mul3A_5 : i32
    "tpu.region"() ({
      %run_scoped3A = tpu.sem_alloc : memref<!tpu.dma_semaphore, #tpu.memory_space<semaphore_mem>>
      %dma_start3A_22 = arith.constant 0 : i32
      %dma_start3A_23 = tpu.memref_slice %arg13[%mul3A_6, %dma_start3A_22] : memref<10112x128xf32, #tpu.memory_space<vmem_shared>> -> memref<632x128xf32, #tpu.memory_space<vmem_shared>>
      %dma_start3A_24 = arith.constant 0 : i32
      %dma_start3A_25 = tpu.memref_slice %arg5[%mul3A_4, %dma_start3A_24] : memref<10112x128xf32, #tpu.memory_space<hbm>> -> memref<632x128xf32, #tpu.memory_space<hbm>>
      tpu.enqueue_dma source(%dma_start3A_25 : memref<632x128xf32, #tpu.memory_space<hbm>>) target(%dma_start3A_23 : memref<632x128xf32, #tpu.memory_space<vmem_shared>>) target_semaphore(%run_scoped3A : memref<!tpu.dma_semaphore, #tpu.memory_space<semaphore_mem>>)
      %dma_wait3A = arith.constant 0 : i32
      %dma_wait3A_26 = tpu.memref_slice %arg13[%mul3A_6, %dma_wait3A] : memref<10112x128xf32, #tpu.memory_space<vmem_shared>> -> memref<632x128xf32, #tpu.memory_space<vmem_shared>>
      %dma_wait3A_27 = arith.constant 0 : i32
      %dma_wait3A_28 = tpu.memref_slice %arg5[%mul3A_4, %dma_wait3A_27] : memref<10112x128xf32, #tpu.memory_space<hbm>> -> memref<632x128xf32, #tpu.memory_space<hbm>>
      tpu.wait_dma2 semaphore(%run_scoped3A : memref<!tpu.dma_semaphore, #tpu.memory_space<semaphore_mem>>) src(%dma_wait3A_28 : memref<632x128xf32, #tpu.memory_space<hbm>>) dst(%dma_wait3A_26 : memref<632x128xf32, #tpu.memory_space<vmem_shared>>)
      tpu.yield
    }) : () -> ()
    %barrier3A = arith.constant 0 : index
    tpu.barrier barrier_id(%barrier3A)
    "tpu.region"() ({
      %run_scoped3A = tpu.sem_alloc : memref<!tpu.dma_semaphore, #tpu.memory_space<semaphore_mem>>
      %dma_start3A_22 = tpu.memref_slice %arg3[%mul3A_2] : memref<326656xi32, #tpu.memory_space<hbm>> -> memref<176xi32, #tpu.memory_space<hbm>>
      %dma_start3A_23 = tpu.memref_slice %arg3[%mul3A_2] : memref<326656xi32, #tpu.memory_space<hbm>> -> memref<176xi32, #tpu.memory_space<hbm>>
      tpu.enqueue_dma source(%dma_start3A_23 : memref<176xi32, #tpu.memory_space<hbm>>) target(%arg7 : memref<176xi32, #tpu.memory_space<vmem>>) target_semaphore(%run_scoped3A : memref<!tpu.dma_semaphore, #tpu.memory_space<semaphore_mem>>)
      %dma_wait3A = tpu.memref_slice %arg3[%mul3A_2] : memref<326656xi32, #tpu.memory_space<hbm>> -> memref<176xi32, #tpu.memory_space<hbm>>
      %dma_wait3A_24 = tpu.memref_slice %arg3[%mul3A_2] : memref<326656xi32, #tpu.memory_space<hbm>> -> memref<176xi32, #tpu.memory_space<hbm>>
      tpu.wait_dma2 semaphore(%run_scoped3A : memref<!tpu.dma_semaphore, #tpu.memory_space<semaphore_mem>>) src(%dma_wait3A_24 : memref<176xi32, #tpu.memory_space<hbm>>) dst(%arg7 : memref<176xi32, #tpu.memory_space<vmem>>)
      tpu.yield
    }) : () -> ()
    "tpu.region"() ({
      %run_scoped3A = tpu.sem_alloc : memref<!tpu.dma_semaphore, #tpu.memory_space<semaphore_mem>>
      %dma_start3A_22 = tpu.memref_slice %arg4[%mul3A_2] : memref<326656xi32, #tpu.memory_space<hbm>> -> memref<176xi32, #tpu.memory_space<hbm>>
      %dma_start3A_23 = tpu.memref_slice %arg4[%mul3A_2] : memref<326656xi32, #tpu.memory_space<hbm>> -> memref<176xi32, #tpu.memory_space<hbm>>
      tpu.enqueue_dma source(%dma_start3A_23 : memref<176xi32, #tpu.memory_space<hbm>>) target(%arg8 : memref<176xi32, #tpu.memory_space<vmem>>) target_semaphore(%run_scoped3A : memref<!tpu.dma_semaphore, #tpu.memory_space<semaphore_mem>>)
      %dma_wait3A = tpu.memref_slice %arg4[%mul3A_2] : memref<326656xi32, #tpu.memory_space<hbm>> -> memref<176xi32, #tpu.memory_space<hbm>>
      %dma_wait3A_24 = tpu.memref_slice %arg4[%mul3A_2] : memref<326656xi32, #tpu.memory_space<hbm>> -> memref<176xi32, #tpu.memory_space<hbm>>
      tpu.wait_dma2 semaphore(%run_scoped3A : memref<!tpu.dma_semaphore, #tpu.memory_space<semaphore_mem>>) src(%dma_wait3A_24 : memref<176xi32, #tpu.memory_space<hbm>>) dst(%arg8 : memref<176xi32, #tpu.memory_space<vmem>>)
      tpu.yield
    }) : () -> ()
    %dma_start3A = arith.constant 0 : i32
    %dma_start3A_7 = arith.constant 0 : i32
    %dma_start3A_8 = tpu.memref_slice %arg2[%dma_start3A, %dma_start3A_7] : memref<10000x128xf32, #tpu.memory_space<hbm>> -> memref<10000x128xf32, #tpu.memory_space<hbm>>
    tpu.enqueue_indirect_dma source(%dma_start3A_8 : memref<10000x128xf32, #tpu.memory_space<hbm>>) target(%arg11 : memref<176x128xf32, #tpu.memory_space<vmem>>) offsets(%arg7 : memref<176xi32, #tpu.memory_space<vmem>>) semaphore(%arg14 : memref<!tpu.dma_semaphore, #tpu.memory_space<semaphore_mem>>)
    %add3A_9 = arith.constant 176 : i32
    %add3A_10 = arith.addi %mul3A_2, %add3A_9 : i32
    "tpu.region"() ({
      %run_scoped3A = tpu.sem_alloc : memref<!tpu.dma_semaphore, #tpu.memory_space<semaphore_mem>>
      %dma_start3A_22 = tpu.memref_slice %arg3[%add3A_10] : memref<326656xi32, #tpu.memory_space<hbm>> -> memref<176xi32, #tpu.memory_space<hbm>>
      %dma_start3A_23 = tpu.memref_slice %arg3[%add3A_10] : memref<326656xi32, #tpu.memory_space<hbm>> -> memref<176xi32, #tpu.memory_space<hbm>>
      tpu.enqueue_dma source(%dma_start3A_23 : memref<176xi32, #tpu.memory_space<hbm>>) target(%arg9 : memref<176xi32, #tpu.memory_space<vmem>>) target_semaphore(%run_scoped3A : memref<!tpu.dma_semaphore, #tpu.memory_space<semaphore_mem>>)
      %dma_wait3A = tpu.memref_slice %arg3[%add3A_10] : memref<326656xi32, #tpu.memory_space<hbm>> -> memref<176xi32, #tpu.memory_space<hbm>>
      %dma_wait3A_24 = tpu.memref_slice %arg3[%add3A_10] : memref<326656xi32, #tpu.memory_space<hbm>> -> memref<176xi32, #tpu.memory_space<hbm>>
      tpu.wait_dma2 semaphore(%run_scoped3A : memref<!tpu.dma_semaphore, #tpu.memory_space<semaphore_mem>>) src(%dma_wait3A_24 : memref<176xi32, #tpu.memory_space<hbm>>) dst(%arg9 : memref<176xi32, #tpu.memory_space<vmem>>)
      tpu.yield
    }) : () -> ()
    %add3A_11 = arith.constant 176 : i32
    %add3A_12 = arith.addi %mul3A_2, %add3A_11 : i32
    "tpu.region"() ({
      %run_scoped3A = tpu.sem_alloc : memref<!tpu.dma_semaphore, #tpu.memory_space<semaphore_mem>>
      %dma_start3A_22 = tpu.memref_slice %arg4[%add3A_12] : memref<326656xi32, #tpu.memory_space<hbm>> -> memref<176xi32, #tpu.memory_space<hbm>>
      %dma_start3A_23 = tpu.memref_slice %arg4[%add3A_12] : memref<326656xi32, #tpu.memory_space<hbm>> -> memref<176xi32, #tpu.memory_space<hbm>>
      tpu.enqueue_dma source(%dma_start3A_23 : memref<176xi32, #tpu.memory_space<hbm>>) target(%arg10 : memref<176xi32, #tpu.memory_space<vmem>>) target_semaphore(%run_scoped3A : memref<!tpu.dma_semaphore, #tpu.memory_space<semaphore_mem>>)
      %dma_wait3A = tpu.memref_slice %arg4[%add3A_12] : memref<326656xi32, #tpu.memory_space<hbm>> -> memref<176xi32, #tpu.memory_space<hbm>>
      %dma_wait3A_24 = tpu.memref_slice %arg4[%add3A_12] : memref<326656xi32, #tpu.memory_space<hbm>> -> memref<176xi32, #tpu.memory_space<hbm>>
      tpu.wait_dma2 semaphore(%run_scoped3A : memref<!tpu.dma_semaphore, #tpu.memory_space<semaphore_mem>>) src(%dma_wait3A_24 : memref<176xi32, #tpu.memory_space<hbm>>) dst(%arg10 : memref<176xi32, #tpu.memory_space<vmem>>)
      tpu.yield
    }) : () -> ()
    %scan3A = arith.constant 0 : i32
    %scan3A_13 = arith.constant 29 : i32
    %scan3A_14 = arith.addi %scan3A, %scan3A_13 : i32
    %scan3A_15 = arith.constant 1 : i32
    scf.for %scan3A_22 = %scan3A to %scan3A_14 step %scan3A_15  : i32 {
      %mul3A_23 = arith.constant 1 : i32
      %mul3A_24 = arith.muli %scan3A_22, %mul3A_23 : i32
      %add3A_25 = arith.constant 0 : i32
      %add3A_26 = arith.addi %add3A_25, %mul3A_24 : i32
      %mul3A_27 = arith.constant 2 : i32
      %mul3A_28 = arith.muli %mul3A_27, %add3A_26 : i32
      %lt3A = arith.constant 28 : i32
      %lt3A_29 = arith.cmpi slt, %add3A_26, %lt3A : i32
      %dma_start3A_30 = arith.constant 0 : i32
      %dma_start3A_31 = arith.constant 0 : i32
      %dma_start3A_32 = tpu.memref_slice %arg2[%dma_start3A_30, %dma_start3A_31] : memref<10000x128xf32, #tpu.memory_space<hbm>> -> memref<10000x128xf32, #tpu.memory_space<hbm>>
      tpu.enqueue_indirect_dma source(%dma_start3A_32 : memref<10000x128xf32, #tpu.memory_space<hbm>>) target(%arg12 : memref<176x128xf32, #tpu.memory_space<vmem>>) offsets(%arg9 : memref<176xi32, #tpu.memory_space<vmem>>) semaphore(%arg15 : memref<!tpu.dma_semaphore, #tpu.memory_space<semaphore_mem>>)
      %dma_wait3A = arith.constant 0 : i32
      %dma_wait3A_33 = arith.constant 0 : i32
      %dma_wait3A_34 = tpu.memref_slice %arg2[%dma_wait3A, %dma_wait3A_33] : memref<10000x128xf32, #tpu.memory_space<hbm>> -> memref<10000x128xf32, #tpu.memory_space<hbm>>
      tpu.wait_indirect_dma semaphore(%arg14 : memref<!tpu.dma_semaphore, #tpu.memory_space<semaphore_mem>>) src(%dma_wait3A_34 : memref<10000x128xf32, #tpu.memory_space<hbm>>) dst(%arg11 : memref<176x128xf32, #tpu.memory_space<vmem>>)
      %dma_start3A_35 = arith.constant 0 : i32
      %dma_start3A_36 = arith.constant 0 : i32
      %dma_start3A_37 = tpu.memref_slice %arg13[%dma_start3A_35, %dma_start3A_36] : memref<10112x128xf32, #tpu.memory_space<vmem_shared>> -> memref<10112x128xf32, #tpu.memory_space<vmem_shared>>
      tpu.enqueue_indirect_dma source(%arg11 : memref<176x128xf32, #tpu.memory_space<vmem>>) target(%dma_start3A_37 : memref<10112x128xf32, #tpu.memory_space<vmem_shared>>) offsets(%arg8 : memref<176xi32, #tpu.memory_space<vmem>>) semaphore(%arg16 : memref<!tpu.dma_semaphore, #tpu.memory_space<semaphore_mem>>) {add = true}
      %dma_wait3A_38 = arith.constant 0 : i32
      %dma_wait3A_39 = arith.constant 0 : i32
      %dma_wait3A_40 = tpu.memref_slice %arg13[%dma_wait3A_38, %dma_wait3A_39] : memref<10112x128xf32, #tpu.memory_space<vmem_shared>> -> memref<10112x128xf32, #tpu.memory_space<vmem_shared>>
      tpu.wait_indirect_dma semaphore(%arg16 : memref<!tpu.dma_semaphore, #tpu.memory_space<semaphore_mem>>) src(%arg11 : memref<176x128xf32, #tpu.memory_space<vmem>>) dst(%dma_wait3A_40 : memref<10112x128xf32, #tpu.memory_space<vmem_shared>>)
      %convert_element_type3A = arith.extui %lt3A_29 : i1 to i32
      %cond3A = arith.constant 0 : i32
      %cond3A_41 = arith.cmpi ne, %convert_element_type3A, %cond3A : i32
      scf.if %cond3A_41 {
        %add3A_57 = arith.constant 2 : i32
        %add3A_58 = arith.addi %mul3A_28, %add3A_57 : i32
        %mul3A_59 = arith.constant 176 : i32
        %mul3A_60 = arith.muli %add3A_58, %mul3A_59 : i32
        %add3A_61 = arith.addi %mul3A_2, %mul3A_60 : i32
        "tpu.region"() ({
          %run_scoped3A = tpu.sem_alloc : memref<!tpu.dma_semaphore, #tpu.memory_space<semaphore_mem>>
          %dma_start3A_62 = tpu.memref_slice %arg3[%add3A_61] : memref<326656xi32, #tpu.memory_space<hbm>> -> memref<176xi32, #tpu.memory_space<hbm>>
          %dma_start3A_63 = tpu.memref_slice %arg3[%add3A_61] : memref<326656xi32, #tpu.memory_space<hbm>> -> memref<176xi32, #tpu.memory_space<hbm>>
          tpu.enqueue_dma source(%dma_start3A_63 : memref<176xi32, #tpu.memory_space<hbm>>) target(%arg7 : memref<176xi32, #tpu.memory_space<vmem>>) target_semaphore(%run_scoped3A : memref<!tpu.dma_semaphore, #tpu.memory_space<semaphore_mem>>)
          %dma_wait3A_64 = tpu.memref_slice %arg3[%add3A_61] : memref<326656xi32, #tpu.memory_space<hbm>> -> memref<176xi32, #tpu.memory_space<hbm>>
          %dma_wait3A_65 = tpu.memref_slice %arg3[%add3A_61] : memref<326656xi32, #tpu.memory_space<hbm>> -> memref<176xi32, #tpu.memory_space<hbm>>
          tpu.wait_dma2 semaphore(%run_scoped3A : memref<!tpu.dma_semaphore, #tpu.memory_space<semaphore_mem>>) src(%dma_wait3A_65 : memref<176xi32, #tpu.memory_space<hbm>>) dst(%arg7 : memref<176xi32, #tpu.memory_space<vmem>>)
          tpu.yield
        }) : () -> ()
        "tpu.region"() ({
          %run_scoped3A = tpu.sem_alloc : memref<!tpu.dma_semaphore, #tpu.memory_space<semaphore_mem>>
          %dma_start3A_62 = tpu.memref_slice %arg4[%add3A_61] : memref<326656xi32, #tpu.memory_space<hbm>> -> memref<176xi32, #tpu.memory_space<hbm>>
          %dma_start3A_63 = tpu.memref_slice %arg4[%add3A_61] : memref<326656xi32, #tpu.memory_space<hbm>> -> memref<176xi32, #tpu.memory_space<hbm>>
          tpu.enqueue_dma source(%dma_start3A_63 : memref<176xi32, #tpu.memory_space<hbm>>) target(%arg8 : memref<176xi32, #tpu.memory_space<vmem>>) target_semaphore(%run_scoped3A : memref<!tpu.dma_semaphore, #tpu.memory_space<semaphore_mem>>)
          %dma_wait3A_64 = tpu.memref_slice %arg4[%add3A_61] : memref<326656xi32, #tpu.memory_space<hbm>> -> memref<176xi32, #tpu.memory_space<hbm>>
          %dma_wait3A_65 = tpu.memref_slice %arg4[%add3A_61] : memref<326656xi32, #tpu.memory_space<hbm>> -> memref<176xi32, #tpu.memory_space<hbm>>
          tpu.wait_dma2 semaphore(%run_scoped3A : memref<!tpu.dma_semaphore, #tpu.memory_space<semaphore_mem>>) src(%dma_wait3A_65 : memref<176xi32, #tpu.memory_space<hbm>>) dst(%arg8 : memref<176xi32, #tpu.memory_space<vmem>>)
          tpu.yield
        }) : () -> ()
      } else {
      }
      %dma_wait3A_42 = arith.constant 0 : i32
      %dma_wait3A_43 = arith.constant 0 : i32
      %dma_wait3A_44 = tpu.memref_slice %arg2[%dma_wait3A_42, %dma_wait3A_43] : memref<10000x128xf32, #tpu.memory_space<hbm>> -> memref<10000x128xf32, #tpu.memory_space<hbm>>
      tpu.wait_indirect_dma semaphore(%arg15 : memref<!tpu.dma_semaphore, #tpu.memory_space<semaphore_mem>>) src(%dma_wait3A_44 : memref<10000x128xf32, #tpu.memory_space<hbm>>) dst(%arg12 : memref<176x128xf32, #tpu.memory_space<vmem>>)
      %dma_start3A_45 = arith.constant 0 : i32
      %dma_start3A_46 = arith.constant 0 : i32
      %dma_start3A_47 = tpu.memref_slice %arg13[%dma_start3A_45, %dma_start3A_46] : memref<10112x128xf32, #tpu.memory_space<vmem_shared>> -> memref<10112x128xf32, #tpu.memory_space<vmem_shared>>
      tpu.enqueue_indirect_dma source(%arg12 : memref<176x128xf32, #tpu.memory_space<vmem>>) target(%dma_start3A_47 : memref<10112x128xf32, #tpu.memory_space<vmem_shared>>) offsets(%arg10 : memref<176xi32, #tpu.memory_space<vmem>>) semaphore(%arg17 : memref<!tpu.dma_semaphore, #tpu.memory_space<semaphore_mem>>) {add = true}
      %convert_element_type3A_48 = arith.extui %lt3A_29 : i1 to i32
      %cond3A_49 = arith.constant 0 : i32
      %cond3A_50 = arith.cmpi ne, %convert_element_type3A_48, %cond3A_49 : i32
      scf.if %cond3A_50 {
        %dma_start3A_57 = arith.constant 0 : i32
        %dma_start3A_58 = arith.constant 0 : i32
        %dma_start3A_59 = tpu.memref_slice %arg2[%dma_start3A_57, %dma_start3A_58] : memref<10000x128xf32, #tpu.memory_space<hbm>> -> memref<10000x128xf32, #tpu.memory_space<hbm>>
        tpu.enqueue_indirect_dma source(%dma_start3A_59 : memref<10000x128xf32, #tpu.memory_space<hbm>>) target(%arg11 : memref<176x128xf32, #tpu.memory_space<vmem>>) offsets(%arg7 : memref<176xi32, #tpu.memory_space<vmem>>) semaphore(%arg14 : memref<!tpu.dma_semaphore, #tpu.memory_space<semaphore_mem>>)
      } else {
      }
      %dma_wait3A_51 = arith.constant 0 : i32
      %dma_wait3A_52 = arith.constant 0 : i32
      %dma_wait3A_53 = tpu.memref_slice %arg13[%dma_wait3A_51, %dma_wait3A_52] : memref<10112x128xf32, #tpu.memory_space<vmem_shared>> -> memref<10112x128xf32, #tpu.memory_space<vmem_shared>>
      tpu.wait_indirect_dma semaphore(%arg17 : memref<!tpu.dma_semaphore, #tpu.memory_space<semaphore_mem>>) src(%arg12 : memref<176x128xf32, #tpu.memory_space<vmem>>) dst(%dma_wait3A_53 : memref<10112x128xf32, #tpu.memory_space<vmem_shared>>)
      %convert_element_type3A_54 = arith.extui %lt3A_29 : i1 to i32
      %cond3A_55 = arith.constant 0 : i32
      %cond3A_56 = arith.cmpi ne, %convert_element_type3A_54, %cond3A_55 : i32
      scf.if %cond3A_56 {
        %add3A_57 = arith.constant 3 : i32
        %add3A_58 = arith.addi %mul3A_28, %add3A_57 : i32
        %mul3A_59 = arith.constant 176 : i32
        %mul3A_60 = arith.muli %add3A_58, %mul3A_59 : i32
        %add3A_61 = arith.addi %mul3A_2, %mul3A_60 : i32
        "tpu.region"() ({
          %run_scoped3A = tpu.sem_alloc : memref<!tpu.dma_semaphore, #tpu.memory_space<semaphore_mem>>
          %dma_start3A_62 = tpu.memref_slice %arg3[%add3A_61] : memref<326656xi32, #tpu.memory_space<hbm>> -> memref<176xi32, #tpu.memory_space<hbm>>
          %dma_start3A_63 = tpu.memref_slice %arg3[%add3A_61] : memref<326656xi32, #tpu.memory_space<hbm>> -> memref<176xi32, #tpu.memory_space<hbm>>
          tpu.enqueue_dma source(%dma_start3A_63 : memref<176xi32, #tpu.memory_space<hbm>>) target(%arg9 : memref<176xi32, #tpu.memory_space<vmem>>) target_semaphore(%run_scoped3A : memref<!tpu.dma_semaphore, #tpu.memory_space<semaphore_mem>>)
          %dma_wait3A_64 = tpu.memref_slice %arg3[%add3A_61] : memref<326656xi32, #tpu.memory_space<hbm>> -> memref<176xi32, #tpu.memory_space<hbm>>
          %dma_wait3A_65 = tpu.memref_slice %arg3[%add3A_61] : memref<326656xi32, #tpu.memory_space<hbm>> -> memref<176xi32, #tpu.memory_space<hbm>>
          tpu.wait_dma2 semaphore(%run_scoped3A : memref<!tpu.dma_semaphore, #tpu.memory_space<semaphore_mem>>) src(%dma_wait3A_65 : memref<176xi32, #tpu.memory_space<hbm>>) dst(%arg9 : memref<176xi32, #tpu.memory_space<vmem>>)
          tpu.yield
        }) : () -> ()
        "tpu.region"() ({
          %run_scoped3A = tpu.sem_alloc : memref<!tpu.dma_semaphore, #tpu.memory_space<semaphore_mem>>
          %dma_start3A_62 = tpu.memref_slice %arg4[%add3A_61] : memref<326656xi32, #tpu.memory_space<hbm>> -> memref<176xi32, #tpu.memory_space<hbm>>
          %dma_start3A_63 = tpu.memref_slice %arg4[%add3A_61] : memref<326656xi32, #tpu.memory_space<hbm>> -> memref<176xi32, #tpu.memory_space<hbm>>
          tpu.enqueue_dma source(%dma_start3A_63 : memref<176xi32, #tpu.memory_space<hbm>>) target(%arg10 : memref<176xi32, #tpu.memory_space<vmem>>) target_semaphore(%run_scoped3A : memref<!tpu.dma_semaphore, #tpu.memory_space<semaphore_mem>>)
          %dma_wait3A_64 = tpu.memref_slice %arg4[%add3A_61] : memref<326656xi32, #tpu.memory_space<hbm>> -> memref<176xi32, #tpu.memory_space<hbm>>
          %dma_wait3A_65 = tpu.memref_slice %arg4[%add3A_61] : memref<326656xi32, #tpu.memory_space<hbm>> -> memref<176xi32, #tpu.memory_space<hbm>>
          tpu.wait_dma2 semaphore(%run_scoped3A : memref<!tpu.dma_semaphore, #tpu.memory_space<semaphore_mem>>) src(%dma_wait3A_65 : memref<176xi32, #tpu.memory_space<hbm>>) dst(%arg10 : memref<176xi32, #tpu.memory_space<vmem>>)
          tpu.yield
        }) : () -> ()
      } else {
      }
    }
    %scan3A_16 = arith.constant 29 : i32
    %barrier3A_17 = arith.constant 0 : index
    tpu.barrier barrier_id(%barrier3A_17)
    %mul3A_18 = arith.constant 632 : i32
    %mul3A_19 = arith.muli %arg1, %mul3A_18 : i32
    %mul3A_20 = arith.constant 632 : i32
    %mul3A_21 = arith.muli %arg1, %mul3A_20 : i32
    "tpu.region"() ({
      %run_scoped3A = tpu.sem_alloc : memref<!tpu.dma_semaphore, #tpu.memory_space<semaphore_mem>>
      %dma_start3A_22 = arith.constant 0 : i32
      %dma_start3A_23 = tpu.memref_slice %arg6[%arg0, %mul3A_21, %dma_start3A_22] : memref<2x10112x128xf32, #tpu.memory_space<hbm>> -> memref<1x632x128xf32, #tpu.memory_space<hbm>>
      %dma_start3A_24 = tpu.memref_squeeze %dma_start3A_23 : memref<1x632x128xf32, #tpu.memory_space<hbm>> -> memref<632x128xf32, #tpu.memory_space<hbm>>
      %dma_start3A_25 = arith.constant 0 : i32
      %dma_start3A_26 = tpu.memref_slice %arg13[%mul3A_19, %dma_start3A_25] : memref<10112x128xf32, #tpu.memory_space<vmem_shared>> -> memref<632x128xf32, #tpu.memory_space<vmem_shared>>
      tpu.enqueue_dma source(%dma_start3A_26 : memref<632x128xf32, #tpu.memory_space<vmem_shared>>) target(%dma_start3A_24 : memref<632x128xf32, #tpu.memory_space<hbm>>) target_semaphore(%run_scoped3A : memref<!tpu.dma_semaphore, #tpu.memory_space<semaphore_mem>>)
      %dma_wait3A = arith.constant 0 : i32
      %dma_wait3A_27 = tpu.memref_slice %arg6[%arg0, %mul3A_21, %dma_wait3A] : memref<2x10112x128xf32, #tpu.memory_space<hbm>> -> memref<1x632x128xf32, #tpu.memory_space<hbm>>
      %dma_wait3A_28 = tpu.memref_squeeze %dma_wait3A_27 : memref<1x632x128xf32, #tpu.memory_space<hbm>> -> memref<632x128xf32, #tpu.memory_space<hbm>>
      %dma_wait3A_29 = arith.constant 0 : i32
      %dma_wait3A_30 = tpu.memref_slice %arg13[%mul3A_19, %dma_wait3A_29] : memref<10112x128xf32, #tpu.memory_space<vmem_shared>> -> memref<632x128xf32, #tpu.memory_space<vmem_shared>>
      tpu.wait_dma2 semaphore(%run_scoped3A : memref<!tpu.dma_semaphore, #tpu.memory_space<semaphore_mem>>) src(%dma_wait3A_30 : memref<632x128xf32, #tpu.memory_space<vmem_shared>>) dst(%dma_wait3A_28 : memref<632x128xf32, #tpu.memory_space<hbm>>)
      tpu.yield
    }) : () -> ()
    return
  }
}

module attributes {stable_mosaic.version = 14 : i64} {
  func.func @_dinv_body(%arg0: memref<32x10000xf32, #tpu.memory_space<vmem>>, %arg1: memref<10000xf32, #tpu.memory_space<vmem>>) attributes {dimension_semantics = [], scalar_prefetch = 0 : i64, scratch_operands = 0 : i64, tpu.core_type = #tpu.core_type<tc>} {
    %get3A = arith.constant 0 : index
    %get3A_0 = arith.constant 0 : index
    %get3A_1 = vector.load %arg0[%get3A, %get3A_0] : memref<32x10000xf32, #tpu.memory_space<vmem>>, vector<32x10000xf32>
    %reduce_sum3A = arith.constant dense<0.000000e+00> : vector<10000xf32>
    %reduce_sum3A_2 = vector.multi_reduction <add>, %get3A_1, %reduce_sum3A [0] : vector<32x10000xf32> to vector<10000xf32>
    %add3A = arith.constant 1.000000e+00 : f32
    %add3A_3 = vector.broadcast %add3A : f32 to vector<10000xf32>
    %add3A_4 = arith.addf %reduce_sum3A_2, %add3A_3 : vector<10000xf32>
    %rsqrt3A = math.rsqrt %add3A_4 : vector<10000xf32>
    %swap3A = arith.constant 0 : index
    %swap3A_5 = vector.load %arg1[%swap3A] : memref<10000xf32, #tpu.memory_space<vmem>>, vector<10000xf32>
    tpu.vector_store %arg1[%swap3A], %rsqrt3A {strides = array<i32>} : memref<10000xf32, #tpu.memory_space<vmem>>, vector<10000xf32>,
    return
  }
}

module attributes {stable_mosaic.version = 14 : i64} {
  func.func @_mm_scale_body(%arg0: i32, %arg1: memref<1000x128xf32, #tpu.memory_space<vmem>>, %arg2: memref<128x128xf32, #tpu.memory_space<vmem>>, %arg3: memref<1000x1xf32, #tpu.memory_space<vmem>>, %arg4: memref<1000x128xf32, #tpu.memory_space<vmem>>) attributes {dimension_semantics = [#tpu.dimension_semantics<arbitrary>], iteration_bounds = array<i64: 10>, scalar_prefetch = 0 : i64, scratch_operands = 0 : i64, tpu.core_type = #tpu.core_type<tc>, window_params = [{transform_indices = @transform_0, window_bounds = array<i64: 1000, 128>}, {pipeline_mode = #tpu.pipeline_mode<synchronous>, transform_indices = @transform_1, window_bounds = array<i64: 128, 128>}, {transform_indices = @transform_2, window_bounds = array<i64: 1000, 1>}, {transform_indices = @transform_3, window_bounds = array<i64: 1000, 128>}]} {
    %get3A = arith.constant 0 : index
    %get3A_0 = arith.constant 0 : index
    %get3A_1 = vector.load %arg1[%get3A, %get3A_0] : memref<1000x128xf32, #tpu.memory_space<vmem>>, vector<1000x128xf32>
    %get3A_2 = arith.constant 0 : index
    %get3A_3 = arith.constant 0 : index
    %get3A_4 = vector.load %arg2[%get3A_2, %get3A_3] : memref<128x128xf32, #tpu.memory_space<vmem>>, vector<128x128xf32>
    %dot_general3A = arith.constant dense<0.000000e+00> : vector<1000x128xf32>
    %dot_general3A_5 = tpu.matmul %get3A_1, %get3A_4, %dot_general3A {dimension_numbers = #tpu.dot_dimension_numbers<[1], [0], [0], [1], [0, 0, 1, 1], [], []>, transpose_lhs_hint = false} : vector<1000x128xf32>, vector<128x128xf32>, vector<1000x128xf32> -> vector<1000x128xf32>
    %get3A_6 = arith.constant 0 : index
    %get3A_7 = arith.constant 0 : index
    %get3A_8 = vector.load %arg3[%get3A_6, %get3A_7] : memref<1000x1xf32, #tpu.memory_space<vmem>>, vector<1000x1xf32>
    %mul3A = vector.broadcast %get3A_8 : vector<1000x1xf32> to vector<1000x128xf32>
    %mul3A_9 = arith.mulf %dot_general3A_5, %mul3A : vector<1000x128xf32>
    %swap3A = arith.constant 0 : index
    %swap3A_10 = arith.constant 0 : index
    %swap3A_11 = vector.load %arg4[%swap3A, %swap3A_10] : memref<1000x128xf32, #tpu.memory_space<vmem>>, vector<1000x128xf32>
    tpu.vector_store %arg4[%swap3A, %swap3A_10], %mul3A_9 {strides = array<i32>} : memref<1000x128xf32, #tpu.memory_space<vmem>>, vector<1000x128xf32>,
    return
  }
  func.func @transform_0(%arg0: i32) -> (i32, i32) {
    %c0_i32 = arith.constant 0 : i32
    %c0_i32_0 = arith.constant 0 : i32
    return %arg0, %c0_i32 : i32, i32
  }
  func.func @transform_1(%arg0: i32) -> (i32, i32) {
    %c0_i32 = arith.constant 0 : i32
    %c0_i32_0 = arith.constant 0 : i32
    %c0_i32_1 = arith.constant 0 : i32
    return %c0_i32, %c0_i32_0 : i32, i32
  }
  func.func @transform_2(%arg0: i32) -> (i32, i32) {
    %c0_i32 = arith.constant 0 : i32
    %c0_i32_0 = arith.constant 0 : i32
    return %arg0, %c0_i32 : i32, i32
  }
  func.func @transform_3(%arg0: i32) -> (i32, i32) {
    %c0_i32 = arith.constant 0 : i32
    %c0_i32_0 = arith.constant 0 : i32
    return %arg0, %c0_i32 : i32, i32
  }
}

module attributes {stable_mosaic.version = 14 : i64} {
  func.func @_combine_mm_body(%arg0: i32, %arg1: memref<2x1000x128xf32, #tpu.memory_space<vmem>>, %arg2: memref<1000x128xf32, #tpu.memory_space<vmem>>, %arg3: memref<1000x1xf32, #tpu.memory_space<vmem>>, %arg4: memref<1x128xf32, #tpu.memory_space<vmem>>, %arg5: memref<128x128xf32, #tpu.memory_space<vmem>>, %arg6: memref<1000x128xf32, #tpu.memory_space<vmem>>) attributes {dimension_semantics = [#tpu.dimension_semantics<arbitrary>], iteration_bounds = array<i64: 10>, scalar_prefetch = 0 : i64, scratch_operands = 0 : i64, tpu.core_type = #tpu.core_type<tc>, window_params = [{transform_indices = @transform_0, window_bounds = array<i64: 2, 1000, 128>}, {transform_indices = @transform_1, window_bounds = array<i64: 1000, 128>}, {transform_indices = @transform_2, window_bounds = array<i64: 1000, 1>}, {pipeline_mode = #tpu.pipeline_mode<synchronous>, transform_indices = @transform_3, window_bounds = array<i64: 1, 128>}, {pipeline_mode = #tpu.pipeline_mode<synchronous>, transform_indices = @transform_4, window_bounds = array<i64: 128, 128>}, {transform_indices = @transform_5, window_bounds = array<i64: 1000, 128>}]} {
    %get3A = arith.constant 0 : index
    %get3A_0 = arith.constant 0 : index
    %get3A_1 = arith.constant 0 : index
    %get3A_2 = vector.load %arg1[%get3A, %get3A_0, %get3A_1] : memref<2x1000x128xf32, #tpu.memory_space<vmem>>, vector<1x1000x128xf32>
    %get3A_3 = vector.shape_cast %get3A_2 : vector<1x1000x128xf32> to vector<1000x128xf32>
    %get3A_4 = arith.constant 1 : index
    %get3A_5 = arith.constant 0 : index
    %get3A_6 = arith.constant 0 : index
    %get3A_7 = vector.load %arg1[%get3A_4, %get3A_5, %get3A_6] : memref<2x1000x128xf32, #tpu.memory_space<vmem>>, vector<1x1000x128xf32>
    %get3A_8 = vector.shape_cast %get3A_7 : vector<1x1000x128xf32> to vector<1000x128xf32>
    %add3A = arith.addf %get3A_3, %get3A_8 : vector<1000x128xf32>
    %get3A_9 = arith.constant 0 : index
    %get3A_10 = arith.constant 0 : index
    %get3A_11 = vector.load %arg2[%get3A_9, %get3A_10] : memref<1000x128xf32, #tpu.memory_space<vmem>>, vector<1000x128xf32>
    %add3A_12 = arith.addf %add3A, %get3A_11 : vector<1000x128xf32>
    %get3A_13 = arith.constant 0 : index
    %get3A_14 = arith.constant 0 : index
    %get3A_15 = vector.load %arg3[%get3A_13, %get3A_14] : memref<1000x1xf32, #tpu.memory_space<vmem>>, vector<1000x1xf32>
    %mul3A = vector.broadcast %get3A_15 : vector<1000x1xf32> to vector<1000x128xf32>
    %mul3A_16 = arith.mulf %add3A_12, %mul3A : vector<1000x128xf32>
    %get3A_17 = arith.constant 0 : index
    %get3A_18 = arith.constant 0 : index
    %get3A_19 = vector.load %arg4[%get3A_17, %get3A_18] : memref<1x128xf32, #tpu.memory_space<vmem>>, vector<1x128xf32>
    %add3A_20 = vector.broadcast %get3A_19 : vector<1x128xf32> to vector<1000x128xf32>
    %add3A_21 = arith.addf %mul3A_16, %add3A_20 : vector<1000x128xf32>
    %max3A = arith.constant 0.000000e+00 : f32
    %max3A_22 = vector.broadcast %max3A : f32 to vector<1000x128xf32>
    %max3A_23 = arith.maximumf %add3A_21, %max3A_22 : vector<1000x128xf32>
    %get3A_24 = arith.constant 0 : index
    %get3A_25 = arith.constant 0 : index
    %get3A_26 = vector.load %arg5[%get3A_24, %get3A_25] : memref<128x128xf32, #tpu.memory_space<vmem>>, vector<128x128xf32>
    %dot_general3A = arith.constant dense<0.000000e+00> : vector<1000x128xf32>
    %dot_general3A_27 = tpu.matmul %max3A_23, %get3A_26, %dot_general3A {dimension_numbers = #tpu.dot_dimension_numbers<[1], [0], [0], [1], [0, 0, 1, 1], [], []>, transpose_lhs_hint = false} : vector<1000x128xf32>, vector<128x128xf32>, vector<1000x128xf32> -> vector<1000x128xf32>
    %get3A_28 = arith.constant 0 : index
    %get3A_29 = arith.constant 0 : index
    %get3A_30 = vector.load %arg3[%get3A_28, %get3A_29] : memref<1000x1xf32, #tpu.memory_space<vmem>>, vector<1000x1xf32>
    %mul3A_31 = vector.broadcast %get3A_30 : vector<1000x1xf32> to vector<1000x128xf32>
    %mul3A_32 = arith.mulf %dot_general3A_27, %mul3A_31 : vector<1000x128xf32>
    %swap3A = arith.constant 0 : index
    %swap3A_33 = arith.constant 0 : index
    %swap3A_34 = vector.load %arg6[%swap3A, %swap3A_33] : memref<1000x128xf32, #tpu.memory_space<vmem>>, vector<1000x128xf32>
    tpu.vector_store %arg6[%swap3A, %swap3A_33], %mul3A_32 {strides = array<i32>} : memref<1000x128xf32, #tpu.memory_space<vmem>>, vector<1000x128xf32>,
    return
  }
  func.func @transform_0(%arg0: i32) -> (i32, i32, i32) {
    %c0_i32 = arith.constant 0 : i32
    %c0_i32_0 = arith.constant 0 : i32
    %c0_i32_1 = arith.constant 0 : i32
    return %c0_i32, %arg0, %c0_i32_0 : i32, i32, i32
  }
  func.func @transform_1(%arg0: i32) -> (i32, i32) {
    %c0_i32 = arith.constant 0 : i32
    %c0_i32_0 = arith.constant 0 : i32
    return %arg0, %c0_i32 : i32, i32
  }
  func.func @transform_2(%arg0: i32) -> (i32, i32) {
    %c0_i32 = arith.constant 0 : i32
    %c0_i32_0 = arith.constant 0 : i32
    return %arg0, %c0_i32 : i32, i32
  }
  func.func @transform_3(%arg0: i32) -> (i32, i32) {
    %c0_i32 = arith.constant 0 : i32
    %c0_i32_0 = arith.constant 0 : i32
    %c0_i32_1 = arith.constant 0 : i32
    return %c0_i32, %c0_i32_0 : i32, i32
  }
  func.func @transform_4(%arg0: i32) -> (i32, i32) {
    %c0_i32 = arith.constant 0 : i32
    %c0_i32_0 = arith.constant 0 : i32
    %c0_i32_1 = arith.constant 0 : i32
    return %c0_i32, %c0_i32_0 : i32, i32
  }
  func.func @transform_5(%arg0: i32) -> (i32, i32) {
    %c0_i32 = arith.constant 0 : i32
    %c0_i32_0 = arith.constant 0 : i32
    return %arg0, %c0_i32 : i32, i32
  }
}

module attributes {stable_mosaic.version = 14 : i64} {
  func.func @_final_body(%arg0: i32, %arg1: memref<2x1000x128xf32, #tpu.memory_space<vmem>>, %arg2: memref<1000x128xf32, #tpu.memory_space<vmem>>, %arg3: memref<1000x1xf32, #tpu.memory_space<vmem>>, %arg4: memref<1x128xf32, #tpu.memory_space<vmem>>, %arg5: memref<1000x128xf32, #tpu.memory_space<vmem>>) attributes {dimension_semantics = [#tpu.dimension_semantics<arbitrary>], iteration_bounds = array<i64: 10>, scalar_prefetch = 0 : i64, scratch_operands = 0 : i64, tpu.core_type = #tpu.core_type<tc>, window_params = [{transform_indices = @transform_0, window_bounds = array<i64: 2, 1000, 128>}, {transform_indices = @transform_1, window_bounds = array<i64: 1000, 128>}, {transform_indices = @transform_2, window_bounds = array<i64: 1000, 1>}, {pipeline_mode = #tpu.pipeline_mode<synchronous>, transform_indices = @transform_3, window_bounds = array<i64: 1, 128>}, {transform_indices = @transform_4, window_bounds = array<i64: 1000, 128>}]} {
    %get3A = arith.constant 0 : index
    %get3A_0 = arith.constant 0 : index
    %get3A_1 = arith.constant 0 : index
    %get3A_2 = vector.load %arg1[%get3A, %get3A_0, %get3A_1] : memref<2x1000x128xf32, #tpu.memory_space<vmem>>, vector<1x1000x128xf32>
    %get3A_3 = vector.shape_cast %get3A_2 : vector<1x1000x128xf32> to vector<1000x128xf32>
    %get3A_4 = arith.constant 1 : index
    %get3A_5 = arith.constant 0 : index
    %get3A_6 = arith.constant 0 : index
    %get3A_7 = vector.load %arg1[%get3A_4, %get3A_5, %get3A_6] : memref<2x1000x128xf32, #tpu.memory_space<vmem>>, vector<1x1000x128xf32>
    %get3A_8 = vector.shape_cast %get3A_7 : vector<1x1000x128xf32> to vector<1000x128xf32>
    %add3A = arith.addf %get3A_3, %get3A_8 : vector<1000x128xf32>
    %get3A_9 = arith.constant 0 : index
    %get3A_10 = arith.constant 0 : index
    %get3A_11 = vector.load %arg2[%get3A_9, %get3A_10] : memref<1000x128xf32, #tpu.memory_space<vmem>>, vector<1000x128xf32>
    %add3A_12 = arith.addf %add3A, %get3A_11 : vector<1000x128xf32>
    %get3A_13 = arith.constant 0 : index
    %get3A_14 = arith.constant 0 : index
    %get3A_15 = vector.load %arg3[%get3A_13, %get3A_14] : memref<1000x1xf32, #tpu.memory_space<vmem>>, vector<1000x1xf32>
    %mul3A = vector.broadcast %get3A_15 : vector<1000x1xf32> to vector<1000x128xf32>
    %mul3A_16 = arith.mulf %add3A_12, %mul3A : vector<1000x128xf32>
    %get3A_17 = arith.constant 0 : index
    %get3A_18 = arith.constant 0 : index
    %get3A_19 = vector.load %arg4[%get3A_17, %get3A_18] : memref<1x128xf32, #tpu.memory_space<vmem>>, vector<1x128xf32>
    %add3A_20 = vector.broadcast %get3A_19 : vector<1x128xf32> to vector<1000x128xf32>
    %add3A_21 = arith.addf %mul3A_16, %add3A_20 : vector<1000x128xf32>
    %swap3A = arith.constant 0 : index
    %swap3A_22 = arith.constant 0 : index
    %swap3A_23 = vector.load %arg5[%swap3A, %swap3A_22] : memref<1000x128xf32, #tpu.memory_space<vmem>>, vector<1000x128xf32>
    tpu.vector_store %arg5[%swap3A, %swap3A_22], %add3A_21 {strides = array<i32>} : memref<1000x128xf32, #tpu.memory_space<vmem>>, vector<1000x128xf32>,
    return
  }
  func.func @transform_0(%arg0: i32) -> (i32, i32, i32) {
    %c0_i32 = arith.constant 0 : i32
    %c0_i32_0 = arith.constant 0 : i32
    %c0_i32_1 = arith.constant 0 : i32
    return %c0_i32, %arg0, %c0_i32_0 : i32, i32, i32
  }
  func.func @transform_1(%arg0: i32) -> (i32, i32) {
    %c0_i32 = arith.constant 0 : i32
    %c0_i32_0 = arith.constant 0 : i32
    return %arg0, %c0_i32 : i32, i32
  }
  func.func @transform_2(%arg0: i32) -> (i32, i32) {
    %c0_i32 = arith.constant 0 : i32
    %c0_i32_0 = arith.constant 0 : i32
    return %arg0, %c0_i32 : i32, i32
  }
  func.func @transform_3(%arg0: i32) -> (i32, i32) {
    %c0_i32 = arith.constant 0 : i32
    %c0_i32_0 = arith.constant 0 : i32
    %c0_i32_1 = arith.constant 0 : i32
    return %c0_i32, %c0_i32_0 : i32, i32
  }
  func.func @transform_4(%arg0: i32) -> (i32, i32) {
    %c0_i32 = arith.constant 0 : i32
    %c0_i32_0 = arith.constant 0 : i32
    return %arg0, %c0_i32 : i32, i32
  }
}

</mosaic_0001>

<sc_bundles>
// kernel: kernel.12.cloned.1.call-start
scs
__scs_entry_jumppad:
0x0: {  	(pc) =	sbr.rel $0x88, $3  }
0x1: {  	(tag) =	ssettag $0x0;
	lr =	simm.s32 $0x1  }
0x2: {  	[smem:$0x3F9B] =	sst lr;
	_ =	strace $0xD0000000  }
0x3: {  	_ = 	snop  }
0x4: {  	_ = 	snop  }
0x5: {  	_ = 	snop  }
0x6: {  	_ = 	snop  }
0x7: {  	_ = 	snop  }
__scs_overlays_trampoline_lowered:
0x8: {  	[smem:$0x3FAA] =	sst s0  }
0x9: {  	[smem:$0x3FAB] =	sst s1  }
0xa: {  	[smem:$0x3FAC] =	sst s2  }
0xb: {  	[smem:$0x3FAD] =	sst s3  }
0xc: {  	[smem:$0x3FAE] =	sst s4  }
0xd: {  	[smem:$0x3FAF] =	sst s5  }
0xe: {  	[smem:$0x3FB0] =	sst s6  }
0xf: {  	[smem:$0x3FB1] =	sst s7  }
0x10: {  	[smem:$0x3FB2] =	sst s8  }
0x11: {  	[smem:$0x3FB3] =	sst s9;
	s0 =	simm.s32 @!p0 $0x0  }
0x12: {  	s1 =	sld [smem:$0x3F99];
	s0 =	simm.s32 @p0 $0x1  }
0x13: {  	[smem:$0x3FB4] =	sst s0;
	s0 =	simm.s32 @!p1 $0x0  }
0x14: {  	s2 =	sld [smem:$0x3F98];
	s0 =	simm.s32 @p1 $0x1  }
0x15: {  	[smem:$0x3FB5] =	sst s0;
	s0 =	simm.s32 @!p2 $0x0  }
0x16: {  	s3 =	sld [smem:$0x3FDB];
	s0 =	simm.s32 @p2 $0x1  }
0x17: {  	s4 =	simm.s32 $0x1BF5;
	[smem:$0x3FB7] =	sst s0  }
0x18: {  	s0 =	sld [smem:$0x3F9A];
	_ =	swait.ge [sflag:s4], $0x0  }
0x19: {  	s7 =	sld [smem:$0x3F9B]  }
0x1a: {  	s8 =	sadd.s32 $0xFFFFE003, lr  }
0x1b: {  	s9 =	sadd.s32 $0xFFFFFEF7, lr;
	s5 =	simm.s32 $0xFFFFFFFF;
	p2 =	slt.u32 s8, $0xFFFFF086  }
0x1c: {  	p1 =	slt.u32 s9, $0xF7A;
	s5 =	simm.s32 @!p2 $0x0  }
0x1d: {  	s5 =	simm.s32 @p1 $0x1;
	p0 =	seq.s32 s7, s2  }
0x1e: {  	s7 =	smul.u32 @!p0 $0xF7A, s2;
	p2 =	seq.s32 @!p0 s5, $0x0  }
0x1f: {  	s9 =	smul.u32 $0xF7A, s1;
	s8 =	simm.s32 @!p0 $0x1BF5;
	p2 =	por !p2, p0  }
0x20: {  	[sflag:s8] =	ssyncset.s32 @!p0 $0xFFFFF086;
	s6 =	sadd.s32 @!p0 s3, s7;
	s7 =	simm.s32 @!p0 $0x108  }
0x21: {  	s3 =	sadd.s32 s3, s9;
	s6 =	sadd.s32 @!p0 $0x88, s6;
	s7 =	simm.s32 @p2 $0x1082  }
0x22: {  	[simem:s7], [sflag:s8] =	dma.local @!p0 [hbm:s6], $0xF7A  }
0x23: {  	s9 =	sor.u32 $0xD0000000, s2;
	s6 =	simm.s32 $0x108;
	_ =	swait.ge @!p0 [sflag:s8], $0x0  }
0x24: {  	s3 =	sadd.s32 $0x88, s3;
	s6 =	simm.s32 @!p1 $0x1082;
	[sflag:s4] =	ssyncset.s32 $0xFFFFF086  }
0x25: {  	[simem:s6], [sflag:s4] =	dma.local [hbm:s3], $0xF7A  }
0x26: {  	[smem:$0x3F9B] =	sst s1;
	(tag) =	ssettag s2;
	_ =	strace s9  }
0x27: {  	s1 =	sld [smem:$0x3FAB]  }
0x28: {  	s2 =	sld [smem:$0x3FAC]  }
0x29: {  	s4 =	sld [smem:$0x3FAE]  }
0x2a: {  	p0 =	seq.s32 s5, $0x0;
	s5 =	sld [smem:$0x3FAF]  }
0x2b: {  	s6 =	sld [smem:$0x3FB0]  }
0x2c: {  	s7 =	sld [smem:$0x3FB1]  }
0x2d: {  	s3 =	simm.s32 $0x108;
	s8 =	sld [smem:$0x3FB2]  }
0x2e: {  	s3 =	simm.s32 @!p0 $0x1082;
	s9 =	sld [smem:$0x3FB3]  }
0x2f: {  	lr =	sadd.s32 s0, s3;
	s0 =	sld [smem:$0x3FAA]  }
0x30: {  	s3 =	sld [smem:$0x3FAD]  }
0x31: {  	[smem:$0x3FB6] =	sst s10  }
0x32: {  	s10 =	sld [smem:$0x3FB4];
	_ =	sdelay $0x3  }
0x33: {  	p0 =	seq.s32 s10, $0x1;
	s10 =	sld [smem:$0x3FB6];
	_ =	sdelay $0x3  }
0x34: {  	[smem:$0x3FB6] =	sst s10  }
0x35: {  	s10 =	sld [smem:$0x3FB5];
	_ =	sdelay $0x3  }
0x36: {  	p1 =	seq.s32 s10, $0x1;
	s10 =	sld [smem:$0x3FB6];
	_ =	sdelay $0x3  }
0x37: {  	[smem:$0x3FB6] =	sst s10  }
0x38: {  	s10 =	sld [smem:$0x3FB7]  }
0x39: {  	_ = 	snop;
	(pc) =	sbr.ind lr, $3  }
0x3a: {  	_ = 	snop  }
0x3b: {  	_ = 	snop  }
0x3c: {  	p2 =	seq.s32 s10, $0x1;
	s10 =	sld [smem:$0x3FB6]  }
0x3d: {  	_ =	shalt  }
0x3e: {  	_ =	shalt  }
0x3f: {  	_ =	shalt  }
0x40: {  	_ =	shalt  }
0x41: {  	_ =	shalt  }
0x42: {  	_ =	shalt  }
0x43: {  	_ =	shalt  }
0x44: {  	_ =	shalt  }
0x45: {  	_ =	shalt  }
0x46: {  	_ =	shalt  }
0x47: {  	_ =	shalt  }
0x48: {  	_ =	shalt  }
0x49: {  	_ =	shalt  }
0x4a: {  	_ =	shalt  }
0x4b: {  	_ =	shalt  }
0x4c: {  	_ =	shalt  }
0x4d: {  	_ =	shalt  }
0x4e: {  	_ =	shalt  }
0x4f: {  	_ =	shalt  }
0x50: {  	_ =	shalt  }
0x51: {  	_ =	shalt  }
0x52: {  	_ =	shalt  }
0x53: {  	_ =	shalt  }
0x54: {  	_ =	shalt  }
0x55: {  	_ =	shalt  }
0x56: {  	_ =	shalt  }
0x57: {  	_ =	shalt  }
0x58: {  	_ =	shalt  }
0x59: {  	_ =	shalt  }
0x5a: {  	_ =	shalt  }
0x5b: {  	_ =	shalt  }
0x5c: {  	_ =	shalt  }
0x5d: {  	_ =	shalt  }
0x5e: {  	_ =	shalt  }
0x5f: {  	_ =	shalt  }
0x60: {  	_ =	shalt  }
0x61: {  	_ =	shalt  }
0x62: {  	_ =	shalt  }
0x63: {  	_ =	shalt  }
0x64: {  	_ =	shalt  }
0x65: {  	_ =	shalt  }
0x66: {  	_ =	shalt  }
0x67: {  	_ =	shalt  }
0x68: {  	_ =	shalt  }
0x69: {  	_ =	shalt  }
0x6a: {  	_ =	shalt  }
0x6b: {  	_ =	shalt  }
0x6c: {  	_ =	shalt  }
0x6d: {  	_ =	shalt  }
0x6e: {  	_ =	shalt  }
0x6f: {  	_ =	shalt  }
0x70: {  	_ =	shalt  }
0x71: {  	_ =	shalt  }
0x72: {  	_ =	shalt  }
0x73: {  	_ =	shalt  }
0x74: {  	_ =	shalt  }
0x75: {  	_ =	shalt  }
0x76: {  	_ =	shalt  }
0x77: {  	_ =	shalt  }
0x78: {  	_ =	shalt  }
0x79: {  	_ =	shalt  }
0x7a: {  	_ =	shalt  }
0x7b: {  	_ =	shalt  }
0x7c: {  	_ =	shalt  }
0x7d: {  	_ =	shalt  }
0x7e: {  	_ =	shalt  }
0x7f: {  	_ =	shalt  }
0x80: {  	_ =	shalt  }
0x81: {  	_ =	shalt  }
0x82: {  	_ =	shalt  }
0x83: {  	_ =	shalt  }
0x84: {  	_ =	shalt  }
0x85: {  	_ =	shalt  }
0x86: {  	_ =	shalt  }
0x87: {  	_ =	shalt  }
.Lfunc_end0:
.L_simem_size_0:
called_computation.1_lowered:
.L_overlay_start_0:
0x88: {  	s2 =	sld [smem:$0x3FD9]  }
0x89: {  	s3 =	sld [smem:$0x3FFE];
	_ =	sdelay $0x1  }
0x8a: {  	s1 =	srdreg.scid  }
0x8b: {  	s0 =	sand.u32 $0x1, s1  }
0x8c: {  	s17 =	sshll.u32 s0, $0xA;
	s2 =	sadd.s32 s3, s2  }
0x8d: {  	s2 =	sadd.s32 s2, s17  }
0x8e: {  	[smem:$0x3FC2] =	sst s2  }
0x8f: {  	_ = 	snop  }
0x90: {  	s2 =	sld [smem:$0x3FD0];
	(tm) =	ssettm $0x1  }
0x91: {  	s18 =	sld [smem:$0x3FFB];
	_ =	sdelay $0x3  }
0x92: {  	_ =	strace s18  }
0x93: {  	s3 =	sld [smem:$0x3FFC];
	_ =	sdelay $0x3  }
0x94: {  	_ =	strace s3  }
0x95: {  	s3 =	sld [smem:$0x3FFD];
	_ =	sdelay $0x3  }
0x96: {  	_ =	strace s3  }
0x97: {  	_ =	strace $0x8FFFFFFF  }
0x98: {  	s19 =	sld [smem:$0x3FDB];
	_ =	sdelay $0x1  }
0x99: {  	s4 =	simm.s32 $_scs_section_size  }
0x9a: {  	s5 =	simm.s32 $_size__tile_overlayer_lowered;
	s6 =	simm.s32 $_tile_overlayer_lowered  }
0x9b: {  	s22 =	simm.s32 $0x1BFF;
	s21 =	sshll.u32 s6, $0x1;
	s3 =	sadd.s32 s4, s19  }
0x9c: {  	s7 =	simm.s32 $0x0;
	s20 =	sshll.u32 s5, $0x1;
	s5 =	sadd.s32 s21, s3  }
0x9d: {  	[timem:s7], [sflag:s22] =	dma.local [hbm:s5], s20  }
0x9e: {  	_ =	swait.ge [sflag:s22], s20  }
0x9f: {  	s4 =	ssub.s32 $0x0, s20;
	[sflag:s22] =	ssyncset.done $0x0  }
0xa0: {  	[sflag:s22] =	ssyncadd.s32 s4;
	_ =	sdelay $0x1  }
0xa1: {  	s23 =	simm.s32 $0x1B8B  }
0xa2: {  	_ =	swait.ge [sflag:s23], $0x1  }
0xa3: {  	[sflag:s23] =	ssyncset.done $0x0  }
0xa4: {  	s25 =	simm.s32 $0x1B8E;
	s24 =	sld [smem:$0x3FFE];
	[sflag:s23] =	ssyncadd.s32 $0xFFFFFFFF  }
0xa5: {  	s26 =	simm.s32 $execute0_lowered;
	[smem:$0x3FD2] =	sst s25  }
0xa6: {  	s5 =	sshll.u32 s26, $0x1;
	_ =	strace $0x80000049;
	[dreg:$0x1] =	wrdreg $0xFFFFFFFF  }
0xa7: {  	s28 =	simm.s32 $_size_execute0_lowered;
	s3 =	sadd.s32 s3, s5;
	[dreg:$0x0] =	wrdreg $0x0  }
0xa8: {  	s5 =	sshll.u32 s28, $0x1;
	[dreg:$0x2] =	wrdreg s3  }
0xa9: {  	[dreg:$0x3] =	wrdreg s5  }
0xaa: {  	[dreg:$0x4] =	wrdreg $0xC0  }
0xab: {  	_ =	task [dreg:s7], $0x5FFFF  }
0xac: {  	[dreg:$0x1] =	wrdreg $0xFFFFFFFF  }
0xad: {  	[dreg:$0x0] =	wrdreg $0x60  }
0xae: {  	[dreg:$0x2] =	wrdreg s2  }
0xaf: {  	[dreg:$0x3] =	wrdreg s24  }
0xb0: {  	[dreg:$0x4] =	wrdreg $0xB4000  }
0xb1: {  	[dreg:$0x5] =	wrdreg $0x9  }
0xb2: {  	_ =	task.clear_ibuf [dreg:s7], $0x6FFFF;
	_ =	strace $0x90000049  }
0xb3: {  	s29 =	simm.s32 $0x9;
	_ =	strace $0x8000004B  }
0xb4: {  	_ =	swait.ge [sflag:s29], $0x1  }
0xb5: {  	[sflag:s29] =	ssyncadd.s32 $0xFFFFFFFF  }
0xb6: {  	_ =	strace $0x9000004B  }
0xb7: {  	_ =	sfence  }
0xb8: {  	s30 =	sld [smem:$0x0];
	_ =	sdelay $0x2  }
0xb9: {  	s31 =	sshll.u32 s1, $0xD;
	s1 =	sshrl.u32 s1, $0x2  }
0xba: {  	s3 =	sand.u32 $0x4000, s31;
	s1 =	sadd.s32 s1, s30  }
0xbb: {  	s0 =	sor.u32 s3, s0;
	s1 =	sshll.u32 s1, $0x11  }
0xbc: {  	s0 =	sor.u32 s1, s0  }
0xbd: {  	s0 =	sadd.s32 $0x8F2B, s0  }
0xbe: {  	[sflag:s0] =	ssyncadd.remote.s32 $0x1  }
0xbf: {  	_ =	sfence.sel $0xFFFF  }
0xc0: {  	[dreg:$0x0] =	wrdreg $0xFFFFFFFF;
	(pc) =	sbr.abs _section_cstart, $3  }
0xc1: {  	[dreg:$0x1] =	wrdreg $0xFFFFFFFF  }
0xc2: {  	_ =	task.clear_ibuf [dreg:s7], $0x2FFFF;
	_ =	strace $0x9FFFFFFF  }
0xc3: {  	(tm) =	ssettm $0x7FFFFFFF  }
tec
execute0_lowered:
.L_overlay_start_1:
0x0: {  	(tag) =	ssettag $0x1  }
0x1: {  	s2 =	rddreg [dreg:$0x0]  }
0x2: {  	s0 =	rddreg [dreg:$0x1]  }
0x3: {  	s3 =	rddreg [dreg:$0x2];
	s12 =	stileid.u32  }
0x4: {  	s1 =	srdreg.scid;
	s4 =	simm.s32 $0x0;
	s28 =	simm.s32 $0x3  }
0x5: {  	s29 =	simm.s32 $0x6;
	s30 =	simm.s32 $0x2;
	s31 =	simm.s32 $0x4  }
0x6: {  	s7 =	smul.u32 $0x13C00, s12;
	s1 =	sand.u32 $0x1, s1;
	[smem:$0x7FF] =	sst s4  }
0x7: {  	s5 =	sadd.s32 $0xC000, s0;
	s6 =	sadd.s32 $0x16000, s0;
	s11 =	smul.u32 $0x4F000, s12  }
0x8: {  	s17 =	sshll.u32 s12, $0x1;
	s20 =	smul.u32 $0x4FC0, s12;
	s21 =	sshll.u32 s12, $0x6  }
0x9: {  	s8 =	smul.u32 $0x13C000, s1;
	_ =	strace $0x8000004A;
	s10 =	ssub.s32 $0x2, s1  }
0xa: {  	s9 =	sshrl.u32 s7, $0x3;
	s18 =	sshrl.u32 s10, $0x1;
	s19 =	sshrl.u32 s11, $0x2  }
0xb: {  	s7 =	sadd.s32 s7, s8;
	s16 =	sadd.s32 s9, s0;
	s9 =	sor.u32 s1, s17  }
0xc: {  	s17 =	sadd.s32 s19, s3;
	s1 =	smul.u32 $0x27E0, s1;
	s19 =	simm.s32 $0x5  }
0xd: {  	s7 =	sshrl.u32 s7, $0x3;
	s9 =	smul.u32 $0x27E0, s9;
	s8 =	sadd.s32 $0x20000, s16  }
0xe: {  	s0 =	sadd.s32 s7, s0;
	s7 =	ssub.s32 s10, s18;
	[dreg:$0x4] =	wrdreg s8  }
0xf: {  	s8 =	sor.u32 $0x1C05, s21;
	s1 =	sadd.s32 s1, s20;
	s18 =	sshrl.u32 s17, $0x3  }
0x10: {  	s20 =	simm.s32 $0x100;
	s21 =	simm.s32 $0xB0;
	s22 =	sshrl.u32 s9, $0x3  }
0x11: {  	s14 =	sadd.s32 $0x210, s1;
	s13 =	sadd.s32 $0x47800, s0;
	s0 =	simm.s32 $0x0  }
0x12: {  	s9 =	sadd.s32 s5, s22;
	s23 =	sadd.s32 $0x16, s22;
	s24 =	sadd.s32 s6, s22  }
0x13: {  	s26 =	sshrl.u32 s14, $0x3;
	s14 =	smax.u32 s7, $0x1;
	[dreg:$0x5] =	wrdreg s9  }
0x14: {  	s7 =	sadd.s32 $0x160, s1;
	s22 =	simm.s32 $0x400;
	[dreg:$0x6] =	wrdreg s24  }
0x15: {  	s25 =	sadd.s32 s5, s23;
	s12 =	sadd.s32 s6, s23;
	s15 =	sadd.s32 s26, s6  }
0x16: {  	s16 =	sadd.s32 s26, s5;
	s23 =	simm.s32 $0x200;
	s24 =	simm.s32 $0x300  }
0x17: {  	s26 =	simm.s32 $0x1;
	[dreg:$0x7] =	wrdreg s25;
	s25 =	simm.s32 $0x5C00  }
.LBB2_1:
0x18: {  	s1 =	rddreg [dreg:$0x4]  }
0x19: {  	[spmem:s18], [sflag:s8] =	dma.local [hbm:s1], $0x2780  }
0x1a: {  	_ =	swait.ge [sflag:s19], $0x2780  }
0x1b: {  	[sflag:s19] =	ssyncset.done $0x0  }
0x1c: {  	[sflag:s19] =	ssyncadd.s32 $0xFFFFD880  }
0x1d: {  	[bflag:$0x0] =	sbarrier.arrive $0xFFFF  }
0x1e: {  	s11 =	rddreg [dreg:$0x5]  }
0x1f: {  	[tilespmem:s4], [sflag:$0x5] =	stream.linear.gather [hbm4b:s11+s4], $0xB0, $0x38;
	[tilespmem:$0x1F000] =	vst v63  }
0x20: {  	_ =	swait.ge [sflag:s19], $0xB0  }
0x21: {  	[sflag:s19] =	ssyncset.done $0x0  }
0x22: {  	s17 =	rddreg [dreg:$0x6];
	[sflag:s19] =	ssyncadd.s32 $0xFFFFFF50  }
0x23: {  	[tilespmem:s20], [sflag:$0x5] =	stream.linear.gather [hbm4b:s17+s4], $0xB0, $0x38;
	[tilespmem:$0x1F000] =	vst v63  }
0x24: {  	_ =	swait.ge [sflag:s19], $0xB0  }
0x25: {  	[sflag:s19] =	ssyncset.done $0x0  }
0x26: {  	[sflag:s19] =	ssyncadd.s32 $0xFFFFFF50  }
0x27: {  	[tilespmem:s22], [sflag:$0x1] =	stream.indirect.gather [hbm4b:s2+s21], $0x80, s4, s21, $0xb8;
	[tilespmem:$0x1F000] =	vst v63  }
0x28: {  	s9 =	rddreg [dreg:$0x7]  }
0x29: {  	[tilespmem:s23], [sflag:$0x5] =	stream.linear.gather [hbm4b:s9+s4], $0xB0, $0x38;
	[tilespmem:$0x1F000] =	vst v63  }
0x2a: {  	_ =	swait.ge [sflag:s19], $0xB0  }
0x2b: {  	[sflag:s19] =	ssyncset.done $0x0  }
0x2c: {  	[sflag:s19] =	ssyncadd.s32 $0xFFFFFF50  }
0x2d: {  	[tilespmem:s24], [sflag:$0x5] =	stream.linear.gather [hbm4b:s12+s4], $0xB0, $0x38;
	[tilespmem:$0x1F000] =	vst v63  }
0x2e: {  	_ =	swait.ge [sflag:s19], $0xB0  }
0x2f: {  	[sflag:s19] =	ssyncset.done $0x0  }
0x30: {  	[sflag:s19] =	ssyncadd.s32 $0xFFFFFF50  }
0x31: {  	[tilespmem:s25], [sflag:$0x2] =	stream.indirect.gather [hbm4b:s2+s21], $0x80, s23, s21, $0xb8;
	[tilespmem:$0x1F000] =	vst v63  }
0x32: {  	_ =	swait.ge [sflag:s26], $0x5800  }
0x33: {  	[sflag:s26] =	ssyncset.done $0x0  }
0x34: {  	[sflag:s26] =	ssyncadd.s32 $0xFFFFA800  }
0x35: {  	[spmem:s3] =	stream.indirect.scatter.add.f32 [tilespmem:s22], [sflag:$0x3], $0x80, s20, s21, $0xb8;
	[tilespmem:$0x1F000] =	vst v63  }
0x36: {  	_ =	swait.ge [sflag:s28], $0x5800  }
0x37: {  	s10 =	sshrl.u32 s7, $0x3;
	[sflag:s28] =	ssyncset.done $0x0  }
0x38: {  	s17 =	sadd.s32 s5, s10;
	[sflag:s28] =	ssyncadd.s32 $0xFFFFA800  }
0x39: {  	[tilespmem:s4], [sflag:$0x6] =	stream.linear.gather [hbm4b:s17+s4], $0xB0, $0x38;
	[tilespmem:$0x1F000] =	vst v63  }
0x3a: {  	_ =	swait.ge [sflag:s29], $0xB0  }
0x3b: {  	[sflag:s29] =	ssyncset.done $0x0  }
0x3c: {  	s1 =	sadd.s32 s6, s10;
	[sflag:s29] =	ssyncadd.s32 $0xFFFFFF50  }
0x3d: {  	[tilespmem:s20], [sflag:$0x6] =	stream.linear.gather [hbm4b:s1+s4], $0xB0, $0x38;
	[tilespmem:$0x1F000] =	vst v63  }
0x3e: {  	_ =	swait.ge [sflag:s29], $0xB0  }
0x3f: {  	[sflag:s29] =	ssyncset.done $0x0  }
0x40: {  	[sflag:s29] =	ssyncadd.s32 $0xFFFFFF50  }
0x41: {  	_ =	swait.ge [sflag:s30], $0x5800  }
0x42: {  	[sflag:s30] =	ssyncset.done $0x0  }
0x43: {  	[sflag:s30] =	ssyncadd.s32 $0xFFFFA800  }
0x44: {  	[spmem:s3] =	stream.indirect.scatter.add.f32 [tilespmem:s25], [sflag:$0x4], $0x80, s24, s21, $0xb8;
	[tilespmem:$0x1F000] =	vst v63  }
0x45: {  	_ = 	snop  }
0x46: {  	[tilespmem:s22], [sflag:$0x1] =	stream.indirect.gather [hbm4b:s2+s21], $0x80, s4, s21, $0xb8;
	[tilespmem:$0x1F000] =	vst v63  }
0x47: {  	_ =	swait.ge [sflag:s31], $0x5800  }
0x48: {  	[sflag:s31] =	ssyncset.done $0x0  }
0x49: {  	s11 =	sadd.s32 $0x0, s16;
	[sflag:s31] =	ssyncadd.s32 $0xFFFFA800  }
0x4a: {  	[tilespmem:s23], [sflag:$0x6] =	stream.linear.gather [hbm4b:s11+s4], $0xB0, $0x38;
	[tilespmem:$0x1F000] =	vst v63  }
0x4b: {  	_ =	swait.ge [sflag:s29], $0xB0  }
0x4c: {  	[sflag:s29] =	ssyncset.done $0x0  }
0x4d: {  	s17 =	sadd.s32 $0x0, s15;
	[sflag:s29] =	ssyncadd.s32 $0xFFFFFF50  }
0x4e: {  	[tilespmem:s24], [sflag:$0x5] =	stream.linear.gather [hbm4b:s17+s4], $0xB0, $0x38;
	[tilespmem:$0x1F000] =	vst v63  }
0x4f: {  	_ =	swait.ge [sflag:s19], $0xB0  }
0x50: {  	s1 =	simm.s32 $0x2C;
	s17 =	smov.u32 s7;
	[sflag:s19] =	ssyncset.done $0x0  }
.LBB2_2:
0x51: {  	p0 =	sne.s32 s1, $0x4A4;
	[sflag:s19] =	ssyncadd.s32 $0xFFFFFF50;
	s17 =	sadd.s32 $0x160, s17  }
0x52: {  	[tilespmem:s25], [sflag:$0x2] =	stream.indirect.gather [hbm4b:s2+s21], $0x80, s23, s21, $0xb8;
	[tilespmem:$0x1F000] =	vst v63  }
0x53: {  	s9 =	smov.u32 s1;
	s1 =	sadd.s32 $0x2C, s1;
	_ =	swait.ge [sflag:s26], $0x5800  }
0x54: {  	[sflag:s26] =	ssyncset.done $0x0  }
0x55: {  	[sflag:s26] =	ssyncadd.s32 $0xFFFFA800  }
0x56: {  	[spmem:s3] =	stream.indirect.scatter.add.f32 [tilespmem:s22], [sflag:$0x3], $0x80, s20, s21, $0xb8;
	[tilespmem:$0x1F000] =	vst v63  }
0x57: {  	_ =	swait.ge [sflag:s28], $0x5800  }
0x58: {  	s10 =	sshrl.u32 s17, $0x3;
	[sflag:s28] =	ssyncset.done $0x0  }
0x59: {  	s11 =	sadd.s32 s5, s10;
	[sflag:s28] =	ssyncadd.s32 $0xFFFFA800  }
0x5a: {  	[tilespmem:s4], [sflag:$0x6] =	stream.linear.gather [hbm4b:s11+s4], $0xB0, $0x38;
	[tilespmem:$0x1F000] =	vst v63  }
0x5b: {  	_ =	swait.ge [sflag:s29], $0xB0  }
0x5c: {  	[sflag:s29] =	ssyncset.done $0x0  }
0x5d: {  	s10 =	sadd.s32 s6, s10;
	[sflag:s29] =	ssyncadd.s32 $0xFFFFFF50  }
0x5e: {  	[tilespmem:s20], [sflag:$0x6] =	stream.linear.gather [hbm4b:s10+s4], $0xB0, $0x38;
	[tilespmem:$0x1F000] =	vst v63  }
0x5f: {  	_ =	swait.ge [sflag:s29], $0xB0  }
0x60: {  	[sflag:s29] =	ssyncset.done $0x0  }
0x61: {  	[sflag:s29] =	ssyncadd.s32 $0xFFFFFF50  }
0x62: {  	_ =	swait.ge [sflag:s30], $0x5800  }
0x63: {  	[sflag:s30] =	ssyncset.done $0x0  }
0x64: {  	[sflag:s30] =	ssyncadd.s32 $0xFFFFA800  }
0x65: {  	[spmem:s3] =	stream.indirect.scatter.add.f32 [tilespmem:s25], [sflag:$0x4], $0x80, s24, s21, $0xb8;
	[tilespmem:$0x1F000] =	vst v63  }
0x66: {  	_ = 	snop  }
0x67: {  	[tilespmem:s22], [sflag:$0x1] =	stream.indirect.gather [hbm4b:s2+s21], $0x80, s4, s21, $0xb8;
	[tilespmem:$0x1F000] =	vst v63  }
0x68: {  	_ =	swait.ge [sflag:s31], $0x5800  }
0x69: {  	[sflag:s31] =	ssyncset.done $0x0  }
0x6a: {  	s10 =	sadd.s32 s9, s16;
	[sflag:s31] =	ssyncadd.s32 $0xFFFFA800  }
0x6b: {  	[tilespmem:s23], [sflag:$0x6] =	stream.linear.gather [hbm4b:s10+s4], $0xB0, $0x38;
	[tilespmem:$0x1F000] =	vst v63  }
0x6c: {  	_ =	swait.ge [sflag:s29], $0xB0  }
.Ltmp0:
0x6d: {  	[sflag:s29] =	ssyncset.done $0x0;
	(pc) =	sbr.rel @p0 .LBB2_2-.Ltmp0, $4  }
0x6e: {  	s9 =	sadd.s32 s9, s15;
	[sflag:s29] =	ssyncadd.s32 $0xFFFFFF50  }
0x6f: {  	[tilespmem:s24], [sflag:$0x5] =	stream.linear.gather [hbm4b:s9+s4], $0xB0, $0x38;
	[tilespmem:$0x1F000] =	vst v63  }
0x70: {  	_ =	swait.ge [sflag:s19], $0xB0  }
0x71: {  	[sflag:s19] =	ssyncset.done $0x0  }
0x72: {  	[sflag:s19] =	ssyncadd.s32 $0xFFFFFF50  }
0x73: {  	[tilespmem:s25], [sflag:$0x2] =	stream.indirect.gather [hbm4b:s2+s21], $0x80, s23, s21, $0xb8;
	[tilespmem:$0x1F000] =	vst v63  }
0x74: {  	_ =	swait.ge [sflag:s26], $0x5800  }
0x75: {  	[sflag:s26] =	ssyncset.done $0x0  }
0x76: {  	[sflag:s26] =	ssyncadd.s32 $0xFFFFA800  }
0x77: {  	[spmem:s3] =	stream.indirect.scatter.add.f32 [tilespmem:s22], [sflag:$0x3], $0x80, s20, s21, $0xb8;
	[tilespmem:$0x1F000] =	vst v63  }
0x78: {  	_ =	swait.ge [sflag:s28], $0x5800  }
0x79: {  	[sflag:s28] =	ssyncset.done $0x0  }
0x7a: {  	[sflag:s28] =	ssyncadd.s32 $0xFFFFA800  }
0x7b: {  	_ =	swait.ge [sflag:s30], $0x5800  }
0x7c: {  	[sflag:s30] =	ssyncset.done $0x0  }
0x7d: {  	[sflag:s30] =	ssyncadd.s32 $0xFFFFA800  }
0x7e: {  	[spmem:s3] =	stream.indirect.scatter.add.f32 [tilespmem:s25], [sflag:$0x4], $0x80, s24, s21, $0xb8;
	[tilespmem:$0x1F000] =	vst v63  }
0x7f: {  	_ =	swait.ge [sflag:s31], $0x5800  }
0x80: {  	s0 =	sadd.s32 $0x1, s0;
	[sflag:s31] =	ssyncset.done $0x0  }
0x81: {  	p0 =	sne.s32 s0, s14;
	[sflag:s31] =	ssyncadd.s32 $0xFFFFA800  }
.Ltmp1:
0x82: {  	[bflag:$0x0] =	sbarrier.arrive $0xFFFF;
	(pc) =	sbr.rel @p0 .LBB2_1-.Ltmp1, $4  }
0x83: {  	[hbm:s13], [sflag:s8] =	dma.local [spmem:s18], $0x2780  }
0x84: {  	_ =	swait.ge [sflag:s19], $0x2780  }
0x85: {  	[sflag:s19] =	ssyncset.done $0x0  }
0x86: {  	[sflag:s19] =	ssyncadd.s32 $0xFFFFD880  }
0x87: {  	_ =	sfence.sel $0x180000  }
0x88: {  	[bflag:$0x0] =	sbarrier.arrive $0xFFFF  }
0x89: {  	_ =	strace $0x9000004A  }
0x8a: {  	s0 =	stileid.u32;
	[bflag:$0x2] =	sbarrier.arrive $0xFFFF  }
0x8b: {  	p0 =	sne.s32 s0, $0x0;
	s0 =	rddreg [dreg:$0x3]  }
0x8c: {  	s0 =	sadd.s32 @!p0 $0x100000, s0  }
0x8d: {  	[sflag:s0] =	ssyncadd.tile.s32 @!p0 $0x1;
	_ =	shalt  }
.Lfunc_end2:
_tile_overlayer_lowered:
.L_overlay_start_2:
0x8e: {  	(tag) =	ssettag $0x2  }
0x8f: {  	s0 =	rddreg [dreg:$0x0];
	s2 =	stileid.u32  }
0x90: {  	s1 =	rddreg [dreg:$0x1];
	p0 =	sne.s32 s2, $0x0  }
0x91: {  	s3 =	rddreg [dreg:$0x2];
	[bflag:$0x3] =	sbarrier.arrive $0xFFFF;
	s2 =	simm.s32 @!p0 $0x1C05  }
0x92: {  	[timem:s3], [sflag:s2] =	dma.local @!p0 [hbm:s0], s1  }
0x93: {  	s0 =	simm.s32 @!p0 $0x5  }
0x94: {  	_ =	swait.ge @!p0 [sflag:s0], s1  }
0x95: {  	s1 =	ssub.s32 @!p0 $0x0, s1;
	[sflag:s0] =	ssyncset.done @!p0 $0x0  }
0x96: {  	[sflag:s0] =	ssyncadd.s32 @!p0 s1  }
0x97: {  	[bflag:$0x3] =	sbarrier.arrive $0xFFFF  }
0x98: {  	_ =	shalt  }

// kernel: kernel.15.cloned.1.call-start
scs
__scs_entry_jumppad:
0x0: {  	(pc) =	sbr.rel $0x88, $3  }
0x1: {  	(tag) =	ssettag $0x0;
	lr =	simm.s32 $0x1  }
0x2: {  	[smem:$0x3F9B] =	sst lr;
	_ =	strace $0xD0000000  }
0x3: {  	_ = 	snop  }
0x4: {  	_ = 	snop  }
0x5: {  	_ = 	snop  }
0x6: {  	_ = 	snop  }
0x7: {  	_ = 	snop  }
__scs_overlays_trampoline_lowered:
0x8: {  	[smem:$0x3FAA] =	sst s0  }
0x9: {  	[smem:$0x3FAB] =	sst s1  }
0xa: {  	[smem:$0x3FAC] =	sst s2  }
0xb: {  	[smem:$0x3FAD] =	sst s3  }
0xc: {  	[smem:$0x3FAE] =	sst s4  }
0xd: {  	[smem:$0x3FAF] =	sst s5  }
0xe: {  	[smem:$0x3FB0] =	sst s6  }
0xf: {  	[smem:$0x3FB1] =	sst s7  }
0x10: {  	[smem:$0x3FB2] =	sst s8  }
0x11: {  	[smem:$0x3FB3] =	sst s9;
	s0 =	simm.s32 @!p0 $0x0  }
0x12: {  	s1 =	sld [smem:$0x3F99];
	s0 =	simm.s32 @p0 $0x1  }
0x13: {  	[smem:$0x3FB4] =	sst s0;
	s0 =	simm.s32 @!p1 $0x0  }
0x14: {  	s2 =	sld [smem:$0x3F98];
	s0 =	simm.s32 @p1 $0x1  }
0x15: {  	[smem:$0x3FB5] =	sst s0;
	s0 =	simm.s32 @!p2 $0x0  }
0x16: {  	s3 =	sld [smem:$0x3FDB];
	s0 =	simm.s32 @p2 $0x1  }
0x17: {  	s4 =	simm.s32 $0x1BF5;
	[smem:$0x3FB7] =	sst s0  }
0x18: {  	s0 =	sld [smem:$0x3F9A];
	_ =	swait.ge [sflag:s4], $0x0  }
0x19: {  	s7 =	sld [smem:$0x3F9B]  }
0x1a: {  	s8 =	sadd.s32 $0xFFFFE003, lr  }
0x1b: {  	s9 =	sadd.s32 $0xFFFFFEF7, lr;
	s5 =	simm.s32 $0xFFFFFFFF;
	p2 =	slt.u32 s8, $0xFFFFF086  }
0x1c: {  	p1 =	slt.u32 s9, $0xF7A;
	s5 =	simm.s32 @!p2 $0x0  }
0x1d: {  	s5 =	simm.s32 @p1 $0x1;
	p0 =	seq.s32 s7, s2  }
0x1e: {  	s7 =	smul.u32 @!p0 $0xF7A, s2;
	p2 =	seq.s32 @!p0 s5, $0x0  }
0x1f: {  	s9 =	smul.u32 $0xF7A, s1;
	s8 =	simm.s32 @!p0 $0x1BF5;
	p2 =	por !p2, p0  }
0x20: {  	[sflag:s8] =	ssyncset.s32 @!p0 $0xFFFFF086;
	s6 =	sadd.s32 @!p0 s3, s7;
	s7 =	simm.s32 @!p0 $0x108  }
0x21: {  	s3 =	sadd.s32 s3, s9;
	s6 =	sadd.s32 @!p0 $0x88, s6;
	s7 =	simm.s32 @p2 $0x1082  }
0x22: {  	[simem:s7], [sflag:s8] =	dma.local @!p0 [hbm:s6], $0xF7A  }
0x23: {  	s9 =	sor.u32 $0xD0000000, s2;
	s6 =	simm.s32 $0x108;
	_ =	swait.ge @!p0 [sflag:s8], $0x0  }
0x24: {  	s3 =	sadd.s32 $0x88, s3;
	s6 =	simm.s32 @!p1 $0x1082;
	[sflag:s4] =	ssyncset.s32 $0xFFFFF086  }
0x25: {  	[simem:s6], [sflag:s4] =	dma.local [hbm:s3], $0xF7A  }
0x26: {  	[smem:$0x3F9B] =	sst s1;
	(tag) =	ssettag s2;
	_ =	strace s9  }
0x27: {  	s1 =	sld [smem:$0x3FAB]  }
0x28: {  	s2 =	sld [smem:$0x3FAC]  }
0x29: {  	s4 =	sld [smem:$0x3FAE]  }
0x2a: {  	p0 =	seq.s32 s5, $0x0;
	s5 =	sld [smem:$0x3FAF]  }
0x2b: {  	s6 =	sld [smem:$0x3FB0]  }
0x2c: {  	s7 =	sld [smem:$0x3FB1]  }
0x2d: {  	s3 =	simm.s32 $0x108;
	s8 =	sld [smem:$0x3FB2]  }
0x2e: {  	s3 =	simm.s32 @!p0 $0x1082;
	s9 =	sld [smem:$0x3FB3]  }
0x2f: {  	lr =	sadd.s32 s0, s3;
	s0 =	sld [smem:$0x3FAA]  }
0x30: {  	s3 =	sld [smem:$0x3FAD]  }
0x31: {  	[smem:$0x3FB6] =	sst s10  }
0x32: {  	s10 =	sld [smem:$0x3FB4];
	_ =	sdelay $0x3  }
0x33: {  	p0 =	seq.s32 s10, $0x1;
	s10 =	sld [smem:$0x3FB6];
	_ =	sdelay $0x3  }
0x34: {  	[smem:$0x3FB6] =	sst s10  }
0x35: {  	s10 =	sld [smem:$0x3FB5];
	_ =	sdelay $0x3  }
0x36: {  	p1 =	seq.s32 s10, $0x1;
	s10 =	sld [smem:$0x3FB6];
	_ =	sdelay $0x3  }
0x37: {  	[smem:$0x3FB6] =	sst s10  }
0x38: {  	s10 =	sld [smem:$0x3FB7]  }
0x39: {  	_ = 	snop;
	(pc) =	sbr.ind lr, $3  }
0x3a: {  	_ = 	snop  }
0x3b: {  	_ = 	snop  }
0x3c: {  	p2 =	seq.s32 s10, $0x1;
	s10 =	sld [smem:$0x3FB6]  }
0x3d: {  	_ =	shalt  }
0x3e: {  	_ =	shalt  }
0x3f: {  	_ =	shalt  }
0x40: {  	_ =	shalt  }
0x41: {  	_ =	shalt  }
0x42: {  	_ =	shalt  }
0x43: {  	_ =	shalt  }
0x44: {  	_ =	shalt  }
0x45: {  	_ =	shalt  }
0x46: {  	_ =	shalt  }
0x47: {  	_ =	shalt  }
0x48: {  	_ =	shalt  }
0x49: {  	_ =	shalt  }
0x4a: {  	_ =	shalt  }
0x4b: {  	_ =	shalt  }
0x4c: {  	_ =	shalt  }
0x4d: {  	_ =	shalt  }
0x4e: {  	_ =	shalt  }
0x4f: {  	_ =	shalt  }
0x50: {  	_ =	shalt  }
0x51: {  	_ =	shalt  }
0x52: {  	_ =	shalt  }
0x53: {  	_ =	shalt  }
0x54: {  	_ =	shalt  }
0x55: {  	_ =	shalt  }
0x56: {  	_ =	shalt  }
0x57: {  	_ =	shalt  }
0x58: {  	_ =	shalt  }
0x59: {  	_ =	shalt  }
0x5a: {  	_ =	shalt  }
0x5b: {  	_ =	shalt  }
0x5c: {  	_ =	shalt  }
0x5d: {  	_ =	shalt  }
0x5e: {  	_ =	shalt  }
0x5f: {  	_ =	shalt  }
0x60: {  	_ =	shalt  }
0x61: {  	_ =	shalt  }
0x62: {  	_ =	shalt  }
0x63: {  	_ =	shalt  }
0x64: {  	_ =	shalt  }
0x65: {  	_ =	shalt  }
0x66: {  	_ =	shalt  }
0x67: {  	_ =	shalt  }
0x68: {  	_ =	shalt  }
0x69: {  	_ =	shalt  }
0x6a: {  	_ =	shalt  }
0x6b: {  	_ =	shalt  }
0x6c: {  	_ =	shalt  }
0x6d: {  	_ =	shalt  }
0x6e: {  	_ =	shalt  }
0x6f: {  	_ =	shalt  }
0x70: {  	_ =	shalt  }
0x71: {  	_ =	shalt  }
0x72: {  	_ =	shalt  }
0x73: {  	_ =	shalt  }
0x74: {  	_ =	shalt  }
0x75: {  	_ =	shalt  }
0x76: {  	_ =	shalt  }
0x77: {  	_ =	shalt  }
0x78: {  	_ =	shalt  }
0x79: {  	_ =	shalt  }
0x7a: {  	_ =	shalt  }
0x7b: {  	_ =	shalt  }
0x7c: {  	_ =	shalt  }
0x7d: {  	_ =	shalt  }
0x7e: {  	_ =	shalt  }
0x7f: {  	_ =	shalt  }
0x80: {  	_ =	shalt  }
0x81: {  	_ =	shalt  }
0x82: {  	_ =	shalt  }
0x83: {  	_ =	shalt  }
0x84: {  	_ =	shalt  }
0x85: {  	_ =	shalt  }
0x86: {  	_ =	shalt  }
0x87: {  	_ =	shalt  }
.Lfunc_end0:
.L_simem_size_0:
called_computation.2_lowered:
.L_overlay_start_0:
0x88: {  	s2 =	sld [smem:$0x3FD9]  }
0x89: {  	s3 =	sld [smem:$0x3FFE];
	_ =	sdelay $0x1  }
0x8a: {  	s1 =	srdreg.scid  }
0x8b: {  	s0 =	sand.u32 $0x1, s1  }
0x8c: {  	s17 =	sshll.u32 s0, $0xA;
	s2 =	sadd.s32 s3, s2  }
0x8d: {  	s2 =	sadd.s32 s2, s17  }
0x8e: {  	[smem:$0x3FC2] =	sst s2  }
0x8f: {  	_ = 	snop  }
0x90: {  	s2 =	sld [smem:$0x3FD0];
	(tm) =	ssettm $0x1  }
0x91: {  	s18 =	sld [smem:$0x3FFB];
	_ =	sdelay $0x3  }
0x92: {  	_ =	strace s18  }
0x93: {  	s3 =	sld [smem:$0x3FFC];
	_ =	sdelay $0x3  }
0x94: {  	_ =	strace s3  }
0x95: {  	s3 =	sld [smem:$0x3FFD];
	_ =	sdelay $0x3  }
0x96: {  	_ =	strace s3  }
0x97: {  	_ =	strace $0x8FFFFFFF  }
0x98: {  	s19 =	sld [smem:$0x3FDB];
	_ =	sdelay $0x1  }
0x99: {  	s4 =	simm.s32 $_scs_section_size  }
0x9a: {  	s5 =	simm.s32 $_size__tile_overlayer_lowered;
	s6 =	simm.s32 $_tile_overlayer_lowered  }
0x9b: {  	s22 =	simm.s32 $0x1BFF;
	s21 =	sshll.u32 s6, $0x1;
	s3 =	sadd.s32 s4, s19  }
0x9c: {  	s7 =	simm.s32 $0x0;
	s20 =	sshll.u32 s5, $0x1;
	s5 =	sadd.s32 s21, s3  }
0x9d: {  	[timem:s7], [sflag:s22] =	dma.local [hbm:s5], s20  }
0x9e: {  	_ =	swait.ge [sflag:s22], s20  }
0x9f: {  	s4 =	ssub.s32 $0x0, s20;
	[sflag:s22] =	ssyncset.done $0x0  }
0xa0: {  	[sflag:s22] =	ssyncadd.s32 s4;
	_ =	sdelay $0x1  }
0xa1: {  	s23 =	simm.s32 $0x1B8B  }
0xa2: {  	_ =	swait.ge [sflag:s23], $0x1  }
0xa3: {  	[sflag:s23] =	ssyncset.done $0x0  }
0xa4: {  	s25 =	simm.s32 $0x1B8E;
	s24 =	sld [smem:$0x3FFE];
	[sflag:s23] =	ssyncadd.s32 $0xFFFFFFFF  }
0xa5: {  	s26 =	simm.s32 $execute0_lowered;
	[smem:$0x3FD2] =	sst s25  }
0xa6: {  	s5 =	sshll.u32 s26, $0x1;
	_ =	strace $0x8000004C;
	[dreg:$0x1] =	wrdreg $0xFFFFFFFF  }
0xa7: {  	s28 =	simm.s32 $_size_execute0_lowered;
	s3 =	sadd.s32 s3, s5;
	[dreg:$0x0] =	wrdreg $0x0  }
0xa8: {  	s5 =	sshll.u32 s28, $0x1;
	[dreg:$0x2] =	wrdreg s3  }
0xa9: {  	[dreg:$0x3] =	wrdreg s5  }
0xaa: {  	[dreg:$0x4] =	wrdreg $0xC0  }
0xab: {  	_ =	task [dreg:s7], $0x5FFFF  }
0xac: {  	[dreg:$0x1] =	wrdreg $0xFFFFFFFF  }
0xad: {  	[dreg:$0x0] =	wrdreg $0x60  }
0xae: {  	[dreg:$0x2] =	wrdreg s2  }
0xaf: {  	[dreg:$0x3] =	wrdreg s24  }
0xb0: {  	[dreg:$0x4] =	wrdreg $0xB4000  }
0xb1: {  	[dreg:$0x5] =	wrdreg $0x9  }
0xb2: {  	_ =	task.clear_ibuf [dreg:s7], $0x6FFFF;
	_ =	strace $0x9000004C  }
0xb3: {  	s29 =	simm.s32 $0x9;
	_ =	strace $0x8000004E  }
0xb4: {  	_ =	swait.ge [sflag:s29], $0x1  }
0xb5: {  	[sflag:s29] =	ssyncadd.s32 $0xFFFFFFFF  }
0xb6: {  	_ =	strace $0x9000004E  }
0xb7: {  	_ =	sfence  }
0xb8: {  	s30 =	sld [smem:$0x0];
	_ =	sdelay $0x2  }
0xb9: {  	s31 =	sshll.u32 s1, $0xD;
	s1 =	sshrl.u32 s1, $0x2  }
0xba: {  	s3 =	sand.u32 $0x4000, s31;
	s1 =	sadd.s32 s1, s30  }
0xbb: {  	s0 =	sor.u32 s3, s0;
	s1 =	sshll.u32 s1, $0x11  }
0xbc: {  	s0 =	sor.u32 s1, s0  }
0xbd: {  	s0 =	sadd.s32 $0x8F2B, s0  }
0xbe: {  	[sflag:s0] =	ssyncadd.remote.s32 $0x1  }
0xbf: {  	_ =	sfence.sel $0xFFFF  }
0xc0: {  	[dreg:$0x0] =	wrdreg $0xFFFFFFFF;
	(pc) =	sbr.abs _section_cstart, $3  }
0xc1: {  	[dreg:$0x1] =	wrdreg $0xFFFFFFFF  }
0xc2: {  	_ =	task.clear_ibuf [dreg:s7], $0x2FFFF;
	_ =	strace $0x9FFFFFFF  }
0xc3: {  	(tm) =	ssettm $0x7FFFFFFF  }
tec
execute0_lowered:
.L_overlay_start_1:
0x0: {  	(tag) =	ssettag $0x1  }
0x1: {  	s2 =	rddreg [dreg:$0x0]  }
0x2: {  	s0 =	rddreg [dreg:$0x1]  }
0x3: {  	s3 =	rddreg [dreg:$0x2];
	s12 =	stileid.u32  }
0x4: {  	s1 =	srdreg.scid;
	s4 =	simm.s32 $0x0;
	s28 =	simm.s32 $0x3  }
0x5: {  	s29 =	simm.s32 $0x6;
	s30 =	simm.s32 $0x2;
	s31 =	simm.s32 $0x4  }
0x6: {  	s7 =	smul.u32 $0x13C00, s12;
	s1 =	sand.u32 $0x1, s1;
	[smem:$0x7FF] =	sst s4  }
0x7: {  	s5 =	sadd.s32 $0xC000, s0;
	s6 =	sadd.s32 $0x16000, s0;
	s11 =	smul.u32 $0x4F000, s12  }
0x8: {  	s17 =	sshll.u32 s12, $0x1;
	s20 =	smul.u32 $0x4FC0, s12;
	s21 =	sshll.u32 s12, $0x6  }
0x9: {  	s8 =	smul.u32 $0x13C000, s1;
	_ =	strace $0x8000004D;
	s10 =	ssub.s32 $0x2, s1  }
0xa: {  	s9 =	sshrl.u32 s7, $0x3;
	s18 =	sshrl.u32 s10, $0x1;
	s19 =	sshrl.u32 s11, $0x2  }
0xb: {  	s7 =	sadd.s32 s7, s8;
	s16 =	sadd.s32 s9, s0;
	s9 =	sor.u32 s1, s17  }
0xc: {  	s17 =	sadd.s32 s19, s3;
	s1 =	smul.u32 $0x27E0, s1;
	s19 =	simm.s32 $0x5  }
0xd: {  	s7 =	sshrl.u32 s7, $0x3;
	s9 =	smul.u32 $0x27E0, s9;
	s8 =	sadd.s32 $0x20000, s16  }
0xe: {  	s0 =	sadd.s32 s7, s0;
	s7 =	ssub.s32 s10, s18;
	[dreg:$0x4] =	wrdreg s8  }
0xf: {  	s8 =	sor.u32 $0x1C05, s21;
	s1 =	sadd.s32 s1, s20;
	s18 =	sshrl.u32 s17, $0x3  }
0x10: {  	s20 =	simm.s32 $0x100;
	s21 =	simm.s32 $0xB0;
	s22 =	sshrl.u32 s9, $0x3  }
0x11: {  	s14 =	sadd.s32 $0x210, s1;
	s13 =	sadd.s32 $0x47800, s0;
	s0 =	simm.s32 $0x0  }
0x12: {  	s9 =	sadd.s32 s5, s22;
	s23 =	sadd.s32 $0x16, s22;
	s24 =	sadd.s32 s6, s22  }
0x13: {  	s26 =	sshrl.u32 s14, $0x3;
	s14 =	smax.u32 s7, $0x1;
	[dreg:$0x5] =	wrdreg s9  }
0x14: {  	s7 =	sadd.s32 $0x160, s1;
	s22 =	simm.s32 $0x400;
	[dreg:$0x6] =	wrdreg s24  }
0x15: {  	s25 =	sadd.s32 s5, s23;
	s12 =	sadd.s32 s6, s23;
	s15 =	sadd.s32 s26, s6  }
0x16: {  	s16 =	sadd.s32 s26, s5;
	s23 =	simm.s32 $0x200;
	s24 =	simm.s32 $0x300  }
0x17: {  	s26 =	simm.s32 $0x1;
	[dreg:$0x7] =	wrdreg s25;
	s25 =	simm.s32 $0x5C00  }
.LBB2_1:
0x18: {  	s1 =	rddreg [dreg:$0x4]  }
0x19: {  	[spmem:s18], [sflag:s8] =	dma.local [hbm:s1], $0x2780  }
0x1a: {  	_ =	swait.ge [sflag:s19], $0x2780  }
0x1b: {  	[sflag:s19] =	ssyncset.done $0x0  }
0x1c: {  	[sflag:s19] =	ssyncadd.s32 $0xFFFFD880  }
0x1d: {  	[bflag:$0x0] =	sbarrier.arrive $0xFFFF  }
0x1e: {  	s11 =	rddreg [dreg:$0x5]  }
0x1f: {  	[tilespmem:s4], [sflag:$0x5] =	stream.linear.gather [hbm4b:s11+s4], $0xB0, $0x38;
	[tilespmem:$0x1F000] =	vst v63  }
0x20: {  	_ =	swait.ge [sflag:s19], $0xB0  }
0x21: {  	[sflag:s19] =	ssyncset.done $0x0  }
0x22: {  	s17 =	rddreg [dreg:$0x6];
	[sflag:s19] =	ssyncadd.s32 $0xFFFFFF50  }
0x23: {  	[tilespmem:s20], [sflag:$0x5] =	stream.linear.gather [hbm4b:s17+s4], $0xB0, $0x38;
	[tilespmem:$0x1F000] =	vst v63  }
0x24: {  	_ =	swait.ge [sflag:s19], $0xB0  }
0x25: {  	[sflag:s19] =	ssyncset.done $0x0  }
0x26: {  	[sflag:s19] =	ssyncadd.s32 $0xFFFFFF50  }
0x27: {  	[tilespmem:s22], [sflag:$0x1] =	stream.indirect.gather [hbm4b:s2+s21], $0x80, s4, s21, $0xb8;
	[tilespmem:$0x1F000] =	vst v63  }
0x28: {  	s9 =	rddreg [dreg:$0x7]  }
0x29: {  	[tilespmem:s23], [sflag:$0x5] =	stream.linear.gather [hbm4b:s9+s4], $0xB0, $0x38;
	[tilespmem:$0x1F000] =	vst v63  }
0x2a: {  	_ =	swait.ge [sflag:s19], $0xB0  }
0x2b: {  	[sflag:s19] =	ssyncset.done $0x0  }
0x2c: {  	[sflag:s19] =	ssyncadd.s32 $0xFFFFFF50  }
0x2d: {  	[tilespmem:s24], [sflag:$0x5] =	stream.linear.gather [hbm4b:s12+s4], $0xB0, $0x38;
	[tilespmem:$0x1F000] =	vst v63  }
0x2e: {  	_ =	swait.ge [sflag:s19], $0xB0  }
0x2f: {  	[sflag:s19] =	ssyncset.done $0x0  }
0x30: {  	[sflag:s19] =	ssyncadd.s32 $0xFFFFFF50  }
0x31: {  	[tilespmem:s25], [sflag:$0x2] =	stream.indirect.gather [hbm4b:s2+s21], $0x80, s23, s21, $0xb8;
	[tilespmem:$0x1F000] =	vst v63  }
0x32: {  	_ =	swait.ge [sflag:s26], $0x5800  }
0x33: {  	[sflag:s26] =	ssyncset.done $0x0  }
0x34: {  	[sflag:s26] =	ssyncadd.s32 $0xFFFFA800  }
0x35: {  	[spmem:s3] =	stream.indirect.scatter.add.f32 [tilespmem:s22], [sflag:$0x3], $0x80, s20, s21, $0xb8;
	[tilespmem:$0x1F000] =	vst v63  }
0x36: {  	_ =	swait.ge [sflag:s28], $0x5800  }
0x37: {  	s10 =	sshrl.u32 s7, $0x3;
	[sflag:s28] =	ssyncset.done $0x0  }
0x38: {  	s17 =	sadd.s32 s5, s10;
	[sflag:s28] =	ssyncadd.s32 $0xFFFFA800  }
0x39: {  	[tilespmem:s4], [sflag:$0x6] =	stream.linear.gather [hbm4b:s17+s4], $0xB0, $0x38;
	[tilespmem:$0x1F000] =	vst v63  }
0x3a: {  	_ =	swait.ge [sflag:s29], $0xB0  }
0x3b: {  	[sflag:s29] =	ssyncset.done $0x0  }
0x3c: {  	s1 =	sadd.s32 s6, s10;
	[sflag:s29] =	ssyncadd.s32 $0xFFFFFF50  }
0x3d: {  	[tilespmem:s20], [sflag:$0x6] =	stream.linear.gather [hbm4b:s1+s4], $0xB0, $0x38;
	[tilespmem:$0x1F000] =	vst v63  }
0x3e: {  	_ =	swait.ge [sflag:s29], $0xB0  }
0x3f: {  	[sflag:s29] =	ssyncset.done $0x0  }
0x40: {  	[sflag:s29] =	ssyncadd.s32 $0xFFFFFF50  }
0x41: {  	_ =	swait.ge [sflag:s30], $0x5800  }
0x42: {  	[sflag:s30] =	ssyncset.done $0x0  }
0x43: {  	[sflag:s30] =	ssyncadd.s32 $0xFFFFA800  }
0x44: {  	[spmem:s3] =	stream.indirect.scatter.add.f32 [tilespmem:s25], [sflag:$0x4], $0x80, s24, s21, $0xb8;
	[tilespmem:$0x1F000] =	vst v63  }
0x45: {  	_ = 	snop  }
0x46: {  	[tilespmem:s22], [sflag:$0x1] =	stream.indirect.gather [hbm4b:s2+s21], $0x80, s4, s21, $0xb8;
	[tilespmem:$0x1F000] =	vst v63  }
0x47: {  	_ =	swait.ge [sflag:s31], $0x5800  }
0x48: {  	[sflag:s31] =	ssyncset.done $0x0  }
0x49: {  	s11 =	sadd.s32 $0x0, s16;
	[sflag:s31] =	ssyncadd.s32 $0xFFFFA800  }
0x4a: {  	[tilespmem:s23], [sflag:$0x6] =	stream.linear.gather [hbm4b:s11+s4], $0xB0, $0x38;
	[tilespmem:$0x1F000] =	vst v63  }
0x4b: {  	_ =	swait.ge [sflag:s29], $0xB0  }
0x4c: {  	[sflag:s29] =	ssyncset.done $0x0  }
0x4d: {  	s17 =	sadd.s32 $0x0, s15;
	[sflag:s29] =	ssyncadd.s32 $0xFFFFFF50  }
0x4e: {  	[tilespmem:s24], [sflag:$0x5] =	stream.linear.gather [hbm4b:s17+s4], $0xB0, $0x38;
	[tilespmem:$0x1F000] =	vst v63  }
0x4f: {  	_ =	swait.ge [sflag:s19], $0xB0  }
0x50: {  	s1 =	simm.s32 $0x2C;
	s17 =	smov.u32 s7;
	[sflag:s19] =	ssyncset.done $0x0  }
.LBB2_2:
0x51: {  	p0 =	sne.s32 s1, $0x4A4;
	[sflag:s19] =	ssyncadd.s32 $0xFFFFFF50;
	s17 =	sadd.s32 $0x160, s17  }
0x52: {  	[tilespmem:s25], [sflag:$0x2] =	stream.indirect.gather [hbm4b:s2+s21], $0x80, s23, s21, $0xb8;
	[tilespmem:$0x1F000] =	vst v63  }
0x53: {  	s9 =	smov.u32 s1;
	s1 =	sadd.s32 $0x2C, s1;
	_ =	swait.ge [sflag:s26], $0x5800  }
0x54: {  	[sflag:s26] =	ssyncset.done $0x0  }
0x55: {  	[sflag:s26] =	ssyncadd.s32 $0xFFFFA800  }
0x56: {  	[spmem:s3] =	stream.indirect.scatter.add.f32 [tilespmem:s22], [sflag:$0x3], $0x80, s20, s21, $0xb8;
	[tilespmem:$0x1F000] =	vst v63  }
0x57: {  	_ =	swait.ge [sflag:s28], $0x5800  }
0x58: {  	s10 =	sshrl.u32 s17, $0x3;
	[sflag:s28] =	ssyncset.done $0x0  }
0x59: {  	s11 =	sadd.s32 s5, s10;
	[sflag:s28] =	ssyncadd.s32 $0xFFFFA800  }
0x5a: {  	[tilespmem:s4], [sflag:$0x6] =	stream.linear.gather [hbm4b:s11+s4], $0xB0, $0x38;
	[tilespmem:$0x1F000] =	vst v63  }
0x5b: {  	_ =	swait.ge [sflag:s29], $0xB0  }
0x5c: {  	[sflag:s29] =	ssyncset.done $0x0  }
0x5d: {  	s10 =	sadd.s32 s6, s10;
	[sflag:s29] =	ssyncadd.s32 $0xFFFFFF50  }
0x5e: {  	[tilespmem:s20], [sflag:$0x6] =	stream.linear.gather [hbm4b:s10+s4], $0xB0, $0x38;
	[tilespmem:$0x1F000] =	vst v63  }
0x5f: {  	_ =	swait.ge [sflag:s29], $0xB0  }
0x60: {  	[sflag:s29] =	ssyncset.done $0x0  }
0x61: {  	[sflag:s29] =	ssyncadd.s32 $0xFFFFFF50  }
0x62: {  	_ =	swait.ge [sflag:s30], $0x5800  }
0x63: {  	[sflag:s30] =	ssyncset.done $0x0  }
0x64: {  	[sflag:s30] =	ssyncadd.s32 $0xFFFFA800  }
0x65: {  	[spmem:s3] =	stream.indirect.scatter.add.f32 [tilespmem:s25], [sflag:$0x4], $0x80, s24, s21, $0xb8;
	[tilespmem:$0x1F000] =	vst v63  }
0x66: {  	_ = 	snop  }
0x67: {  	[tilespmem:s22], [sflag:$0x1] =	stream.indirect.gather [hbm4b:s2+s21], $0x80, s4, s21, $0xb8;
	[tilespmem:$0x1F000] =	vst v63  }
0x68: {  	_ =	swait.ge [sflag:s31], $0x5800  }
0x69: {  	[sflag:s31] =	ssyncset.done $0x0  }
0x6a: {  	s10 =	sadd.s32 s9, s16;
	[sflag:s31] =	ssyncadd.s32 $0xFFFFA800  }
0x6b: {  	[tilespmem:s23], [sflag:$0x6] =	stream.linear.gather [hbm4b:s10+s4], $0xB0, $0x38;
	[tilespmem:$0x1F000] =	vst v63  }
0x6c: {  	_ =	swait.ge [sflag:s29], $0xB0  }
.Ltmp0:
0x6d: {  	[sflag:s29] =	ssyncset.done $0x0;
	(pc) =	sbr.rel @p0 .LBB2_2-.Ltmp0, $4  }
0x6e: {  	s9 =	sadd.s32 s9, s15;
	[sflag:s29] =	ssyncadd.s32 $0xFFFFFF50  }
0x6f: {  	[tilespmem:s24], [sflag:$0x5] =	stream.linear.gather [hbm4b:s9+s4], $0xB0, $0x38;
	[tilespmem:$0x1F000] =	vst v63  }
0x70: {  	_ =	swait.ge [sflag:s19], $0xB0  }
0x71: {  	[sflag:s19] =	ssyncset.done $0x0  }
0x72: {  	[sflag:s19] =	ssyncadd.s32 $0xFFFFFF50  }
0x73: {  	[tilespmem:s25], [sflag:$0x2] =	stream.indirect.gather [hbm4b:s2+s21], $0x80, s23, s21, $0xb8;
	[tilespmem:$0x1F000] =	vst v63  }
0x74: {  	_ =	swait.ge [sflag:s26], $0x5800  }
0x75: {  	[sflag:s26] =	ssyncset.done $0x0  }
0x76: {  	[sflag:s26] =	ssyncadd.s32 $0xFFFFA800  }
0x77: {  	[spmem:s3] =	stream.indirect.scatter.add.f32 [tilespmem:s22], [sflag:$0x3], $0x80, s20, s21, $0xb8;
	[tilespmem:$0x1F000] =	vst v63  }
0x78: {  	_ =	swait.ge [sflag:s28], $0x5800  }
0x79: {  	[sflag:s28] =	ssyncset.done $0x0  }
0x7a: {  	[sflag:s28] =	ssyncadd.s32 $0xFFFFA800  }
0x7b: {  	_ =	swait.ge [sflag:s30], $0x5800  }
0x7c: {  	[sflag:s30] =	ssyncset.done $0x0  }
0x7d: {  	[sflag:s30] =	ssyncadd.s32 $0xFFFFA800  }
0x7e: {  	[spmem:s3] =	stream.indirect.scatter.add.f32 [tilespmem:s25], [sflag:$0x4], $0x80, s24, s21, $0xb8;
	[tilespmem:$0x1F000] =	vst v63  }
0x7f: {  	_ =	swait.ge [sflag:s31], $0x5800  }
0x80: {  	s0 =	sadd.s32 $0x1, s0;
	[sflag:s31] =	ssyncset.done $0x0  }
0x81: {  	p0 =	sne.s32 s0, s14;
	[sflag:s31] =	ssyncadd.s32 $0xFFFFA800  }
.Ltmp1:
0x82: {  	[bflag:$0x0] =	sbarrier.arrive $0xFFFF;
	(pc) =	sbr.rel @p0 .LBB2_1-.Ltmp1, $4  }
0x83: {  	[hbm:s13], [sflag:s8] =	dma.local [spmem:s18], $0x2780  }
0x84: {  	_ =	swait.ge [sflag:s19], $0x2780  }
0x85: {  	[sflag:s19] =	ssyncset.done $0x0  }
0x86: {  	[sflag:s19] =	ssyncadd.s32 $0xFFFFD880  }
0x87: {  	_ =	sfence.sel $0x180000  }
0x88: {  	[bflag:$0x0] =	sbarrier.arrive $0xFFFF  }
0x89: {  	_ =	strace $0x9000004D  }
0x8a: {  	s0 =	stileid.u32;
	[bflag:$0x2] =	sbarrier.arrive $0xFFFF  }
0x8b: {  	p0 =	sne.s32 s0, $0x0;
	s0 =	rddreg [dreg:$0x3]  }
0x8c: {  	s0 =	sadd.s32 @!p0 $0x100000, s0  }
0x8d: {  	[sflag:s0] =	ssyncadd.tile.s32 @!p0 $0x1;
	_ =	shalt  }
.Lfunc_end2:
_tile_overlayer_lowered:
.L_overlay_start_2:
0x8e: {  	(tag) =	ssettag $0x2  }
0x8f: {  	s0 =	rddreg [dreg:$0x0];
	s2 =	stileid.u32  }
0x90: {  	s1 =	rddreg [dreg:$0x1];
	p0 =	sne.s32 s2, $0x0  }
0x91: {  	s3 =	rddreg [dreg:$0x2];
	[bflag:$0x3] =	sbarrier.arrive $0xFFFF;
	s2 =	simm.s32 @!p0 $0x1C05  }
0x92: {  	[timem:s3], [sflag:s2] =	dma.local @!p0 [hbm:s0], s1  }
0x93: {  	s0 =	simm.s32 @!p0 $0x5  }
0x94: {  	_ =	swait.ge @!p0 [sflag:s0], s1  }
0x95: {  	s1 =	ssub.s32 @!p0 $0x0, s1;
	[sflag:s0] =	ssyncset.done @!p0 $0x0  }
0x96: {  	[sflag:s0] =	ssyncadd.s32 @!p0 s1  }
0x97: {  	[bflag:$0x3] =	sbarrier.arrive $0xFFFF  }
0x98: {  	_ =	shalt  }

// kernel: kernel.9.cloned.1.call-start
scs
__scs_entry_jumppad:
0x0: {  	(pc) =	sbr.rel $0x88, $3  }
0x1: {  	(tag) =	ssettag $0x0;
	lr =	simm.s32 $0x1  }
0x2: {  	[smem:$0x3F9B] =	sst lr;
	_ =	strace $0xD0000000  }
0x3: {  	_ = 	snop  }
0x4: {  	_ = 	snop  }
0x5: {  	_ = 	snop  }
0x6: {  	_ = 	snop  }
0x7: {  	_ = 	snop  }
__scs_overlays_trampoline_lowered:
0x8: {  	[smem:$0x3FAA] =	sst s0  }
0x9: {  	[smem:$0x3FAB] =	sst s1  }
0xa: {  	[smem:$0x3FAC] =	sst s2  }
0xb: {  	[smem:$0x3FAD] =	sst s3  }
0xc: {  	[smem:$0x3FAE] =	sst s4  }
0xd: {  	[smem:$0x3FAF] =	sst s5  }
0xe: {  	[smem:$0x3FB0] =	sst s6  }
0xf: {  	[smem:$0x3FB1] =	sst s7  }
0x10: {  	[smem:$0x3FB2] =	sst s8  }
0x11: {  	[smem:$0x3FB3] =	sst s9;
	s0 =	simm.s32 @!p0 $0x0  }
0x12: {  	s1 =	sld [smem:$0x3F99];
	s0 =	simm.s32 @p0 $0x1  }
0x13: {  	[smem:$0x3FB4] =	sst s0;
	s0 =	simm.s32 @!p1 $0x0  }
0x14: {  	s2 =	sld [smem:$0x3F98];
	s0 =	simm.s32 @p1 $0x1  }
0x15: {  	[smem:$0x3FB5] =	sst s0;
	s0 =	simm.s32 @!p2 $0x0  }
0x16: {  	s3 =	sld [smem:$0x3FDB];
	s0 =	simm.s32 @p2 $0x1  }
0x17: {  	s4 =	simm.s32 $0x1BF5;
	[smem:$0x3FB7] =	sst s0  }
0x18: {  	s0 =	sld [smem:$0x3F9A];
	_ =	swait.ge [sflag:s4], $0x0  }
0x19: {  	s7 =	sld [smem:$0x3F9B]  }
0x1a: {  	s8 =	sadd.s32 $0xFFFFE003, lr  }
0x1b: {  	s9 =	sadd.s32 $0xFFFFFEF7, lr;
	s5 =	simm.s32 $0xFFFFFFFF;
	p2 =	slt.u32 s8, $0xFFFFF086  }
0x1c: {  	p1 =	slt.u32 s9, $0xF7A;
	s5 =	simm.s32 @!p2 $0x0  }
0x1d: {  	s5 =	simm.s32 @p1 $0x1;
	p0 =	seq.s32 s7, s2  }
0x1e: {  	s7 =	smul.u32 @!p0 $0xF7A, s2;
	p2 =	seq.s32 @!p0 s5, $0x0  }
0x1f: {  	s9 =	smul.u32 $0xF7A, s1;
	s8 =	simm.s32 @!p0 $0x1BF5;
	p2 =	por !p2, p0  }
0x20: {  	[sflag:s8] =	ssyncset.s32 @!p0 $0xFFFFF086;
	s6 =	sadd.s32 @!p0 s3, s7;
	s7 =	simm.s32 @!p0 $0x108  }
0x21: {  	s3 =	sadd.s32 s3, s9;
	s6 =	sadd.s32 @!p0 $0x88, s6;
	s7 =	simm.s32 @p2 $0x1082  }
0x22: {  	[simem:s7], [sflag:s8] =	dma.local @!p0 [hbm:s6], $0xF7A  }
0x23: {  	s9 =	sor.u32 $0xD0000000, s2;
	s6 =	simm.s32 $0x108;
	_ =	swait.ge @!p0 [sflag:s8], $0x0  }
0x24: {  	s3 =	sadd.s32 $0x88, s3;
	s6 =	simm.s32 @!p1 $0x1082;
	[sflag:s4] =	ssyncset.s32 $0xFFFFF086  }
0x25: {  	[simem:s6], [sflag:s4] =	dma.local [hbm:s3], $0xF7A  }
0x26: {  	[smem:$0x3F9B] =	sst s1;
	(tag) =	ssettag s2;
	_ =	strace s9  }
0x27: {  	s1 =	sld [smem:$0x3FAB]  }
0x28: {  	s2 =	sld [smem:$0x3FAC]  }
0x29: {  	s4 =	sld [smem:$0x3FAE]  }
0x2a: {  	p0 =	seq.s32 s5, $0x0;
	s5 =	sld [smem:$0x3FAF]  }
0x2b: {  	s6 =	sld [smem:$0x3FB0]  }
0x2c: {  	s7 =	sld [smem:$0x3FB1]  }
0x2d: {  	s3 =	simm.s32 $0x108;
	s8 =	sld [smem:$0x3FB2]  }
0x2e: {  	s3 =	simm.s32 @!p0 $0x1082;
	s9 =	sld [smem:$0x3FB3]  }
0x2f: {  	lr =	sadd.s32 s0, s3;
	s0 =	sld [smem:$0x3FAA]  }
0x30: {  	s3 =	sld [smem:$0x3FAD]  }
0x31: {  	[smem:$0x3FB6] =	sst s10  }
0x32: {  	s10 =	sld [smem:$0x3FB4];
	_ =	sdelay $0x3  }
0x33: {  	p0 =	seq.s32 s10, $0x1;
	s10 =	sld [smem:$0x3FB6];
	_ =	sdelay $0x3  }
0x34: {  	[smem:$0x3FB6] =	sst s10  }
0x35: {  	s10 =	sld [smem:$0x3FB5];
	_ =	sdelay $0x3  }
0x36: {  	p1 =	seq.s32 s10, $0x1;
	s10 =	sld [smem:$0x3FB6];
	_ =	sdelay $0x3  }
0x37: {  	[smem:$0x3FB6] =	sst s10  }
0x38: {  	s10 =	sld [smem:$0x3FB7]  }
0x39: {  	_ = 	snop;
	(pc) =	sbr.ind lr, $3  }
0x3a: {  	_ = 	snop  }
0x3b: {  	_ = 	snop  }
0x3c: {  	p2 =	seq.s32 s10, $0x1;
	s10 =	sld [smem:$0x3FB6]  }
0x3d: {  	_ =	shalt  }
0x3e: {  	_ =	shalt  }
0x3f: {  	_ =	shalt  }
0x40: {  	_ =	shalt  }
0x41: {  	_ =	shalt  }
0x42: {  	_ =	shalt  }
0x43: {  	_ =	shalt  }
0x44: {  	_ =	shalt  }
0x45: {  	_ =	shalt  }
0x46: {  	_ =	shalt  }
0x47: {  	_ =	shalt  }
0x48: {  	_ =	shalt  }
0x49: {  	_ =	shalt  }
0x4a: {  	_ =	shalt  }
0x4b: {  	_ =	shalt  }
0x4c: {  	_ =	shalt  }
0x4d: {  	_ =	shalt  }
0x4e: {  	_ =	shalt  }
0x4f: {  	_ =	shalt  }
0x50: {  	_ =	shalt  }
0x51: {  	_ =	shalt  }
0x52: {  	_ =	shalt  }
0x53: {  	_ =	shalt  }
0x54: {  	_ =	shalt  }
0x55: {  	_ =	shalt  }
0x56: {  	_ =	shalt  }
0x57: {  	_ =	shalt  }
0x58: {  	_ =	shalt  }
0x59: {  	_ =	shalt  }
0x5a: {  	_ =	shalt  }
0x5b: {  	_ =	shalt  }
0x5c: {  	_ =	shalt  }
0x5d: {  	_ =	shalt  }
0x5e: {  	_ =	shalt  }
0x5f: {  	_ =	shalt  }
0x60: {  	_ =	shalt  }
0x61: {  	_ =	shalt  }
0x62: {  	_ =	shalt  }
0x63: {  	_ =	shalt  }
0x64: {  	_ =	shalt  }
0x65: {  	_ =	shalt  }
0x66: {  	_ =	shalt  }
0x67: {  	_ =	shalt  }
0x68: {  	_ =	shalt  }
0x69: {  	_ =	shalt  }
0x6a: {  	_ =	shalt  }
0x6b: {  	_ =	shalt  }
0x6c: {  	_ =	shalt  }
0x6d: {  	_ =	shalt  }
0x6e: {  	_ =	shalt  }
0x6f: {  	_ =	shalt  }
0x70: {  	_ =	shalt  }
0x71: {  	_ =	shalt  }
0x72: {  	_ =	shalt  }
0x73: {  	_ =	shalt  }
0x74: {  	_ =	shalt  }
0x75: {  	_ =	shalt  }
0x76: {  	_ =	shalt  }
0x77: {  	_ =	shalt  }
0x78: {  	_ =	shalt  }
0x79: {  	_ =	shalt  }
0x7a: {  	_ =	shalt  }
0x7b: {  	_ =	shalt  }
0x7c: {  	_ =	shalt  }
0x7d: {  	_ =	shalt  }
0x7e: {  	_ =	shalt  }
0x7f: {  	_ =	shalt  }
0x80: {  	_ =	shalt  }
0x81: {  	_ =	shalt  }
0x82: {  	_ =	shalt  }
0x83: {  	_ =	shalt  }
0x84: {  	_ =	shalt  }
0x85: {  	_ =	shalt  }
0x86: {  	_ =	shalt  }
0x87: {  	_ =	shalt  }
.Lfunc_end0:
.L_simem_size_0:
called_computation_lowered:
.L_overlay_start_0:
0x88: {  	s2 =	sld [smem:$0x3FD9]  }
0x89: {  	s3 =	sld [smem:$0x3FFE];
	_ =	sdelay $0x1  }
0x8a: {  	s1 =	srdreg.scid  }
0x8b: {  	s0 =	sand.u32 $0x1, s1  }
0x8c: {  	s17 =	sshll.u32 s0, $0xA;
	s2 =	sadd.s32 s3, s2  }
0x8d: {  	s2 =	sadd.s32 s2, s17  }
0x8e: {  	[smem:$0x3FC2] =	sst s2  }
0x8f: {  	_ = 	snop  }
0x90: {  	s2 =	sld [smem:$0x3FD0];
	(tm) =	ssettm $0x1  }
0x91: {  	s18 =	sld [smem:$0x3FFB];
	_ =	sdelay $0x3  }
0x92: {  	_ =	strace s18  }
0x93: {  	s3 =	sld [smem:$0x3FFC];
	_ =	sdelay $0x3  }
0x94: {  	_ =	strace s3  }
0x95: {  	s3 =	sld [smem:$0x3FFD];
	_ =	sdelay $0x3  }
0x96: {  	_ =	strace s3  }
0x97: {  	_ =	strace $0x8FFFFFFF  }
0x98: {  	s19 =	sld [smem:$0x3FDB];
	_ =	sdelay $0x1  }
0x99: {  	s4 =	simm.s32 $_scs_section_size  }
0x9a: {  	s5 =	simm.s32 $_size__tile_overlayer_lowered;
	s6 =	simm.s32 $_tile_overlayer_lowered  }
0x9b: {  	s22 =	simm.s32 $0x1BFF;
	s21 =	sshll.u32 s6, $0x1;
	s3 =	sadd.s32 s4, s19  }
0x9c: {  	s7 =	simm.s32 $0x0;
	s20 =	sshll.u32 s5, $0x1;
	s5 =	sadd.s32 s21, s3  }
0x9d: {  	[timem:s7], [sflag:s22] =	dma.local [hbm:s5], s20  }
0x9e: {  	_ =	swait.ge [sflag:s22], s20  }
0x9f: {  	s4 =	ssub.s32 $0x0, s20;
	[sflag:s22] =	ssyncset.done $0x0  }
0xa0: {  	[sflag:s22] =	ssyncadd.s32 s4;
	_ =	sdelay $0x1  }
0xa1: {  	s23 =	simm.s32 $0x1B8B  }
0xa2: {  	_ =	swait.ge [sflag:s23], $0x1  }
0xa3: {  	[sflag:s23] =	ssyncset.done $0x0  }
0xa4: {  	s25 =	simm.s32 $0x1B8E;
	s24 =	sld [smem:$0x3FFE];
	[sflag:s23] =	ssyncadd.s32 $0xFFFFFFFF  }
0xa5: {  	s26 =	simm.s32 $execute0_lowered;
	[smem:$0x3FD2] =	sst s25  }
0xa6: {  	s5 =	sshll.u32 s26, $0x1;
	_ =	strace $0x80000046;
	[dreg:$0x1] =	wrdreg $0xFFFFFFFF  }
0xa7: {  	s28 =	simm.s32 $_size_execute0_lowered;
	s3 =	sadd.s32 s3, s5;
	[dreg:$0x0] =	wrdreg $0x0  }
0xa8: {  	s5 =	sshll.u32 s28, $0x1;
	[dreg:$0x2] =	wrdreg s3  }
0xa9: {  	[dreg:$0x3] =	wrdreg s5  }
0xaa: {  	[dreg:$0x4] =	wrdreg $0xC0  }
0xab: {  	_ =	task [dreg:s7], $0x5FFFF  }
0xac: {  	[dreg:$0x1] =	wrdreg $0xFFFFFFFF  }
0xad: {  	[dreg:$0x0] =	wrdreg $0x60  }
0xae: {  	[dreg:$0x2] =	wrdreg s24  }
0xaf: {  	[dreg:$0x3] =	wrdreg s2  }
0xb0: {  	[dreg:$0x4] =	wrdreg $0x9  }
0xb1: {  	_ =	task.clear_ibuf [dreg:s7], $0x5FFFF;
	_ =	strace $0x90000046  }
0xb2: {  	s29 =	simm.s32 $0x9;
	_ =	strace $0x80000048  }
0xb3: {  	_ =	swait.ge [sflag:s29], $0x1  }
0xb4: {  	[sflag:s29] =	ssyncadd.s32 $0xFFFFFFFF  }
0xb5: {  	_ =	strace $0x90000048  }
0xb6: {  	_ =	sfence  }
0xb7: {  	s30 =	sld [smem:$0x0];
	_ =	sdelay $0x2  }
0xb8: {  	s31 =	sshll.u32 s1, $0xD;
	s1 =	sshrl.u32 s1, $0x2  }
0xb9: {  	s3 =	sand.u32 $0x4000, s31;
	s1 =	sadd.s32 s1, s30  }
0xba: {  	s0 =	sor.u32 s3, s0;
	s1 =	sshll.u32 s1, $0x11  }
0xbb: {  	s0 =	sor.u32 s1, s0  }
0xbc: {  	s0 =	sadd.s32 $0x8F2B, s0  }
0xbd: {  	[sflag:s0] =	ssyncadd.remote.s32 $0x1  }
0xbe: {  	_ =	sfence.sel $0xFFFF  }
0xbf: {  	[dreg:$0x0] =	wrdreg $0xFFFFFFFF;
	(pc) =	sbr.abs _section_cstart, $3  }
0xc0: {  	[dreg:$0x1] =	wrdreg $0xFFFFFFFF  }
0xc1: {  	_ =	task.clear_ibuf [dreg:s7], $0x2FFFF;
	_ =	strace $0x9FFFFFFF  }
0xc2: {  	(tm) =	ssettm $0x7FFFFFFF  }
0xc3: {  	_ =	shalt  }
tec
execute0_lowered:
.L_overlay_start_1:
0x0: {  	(tag) =	ssettag $0x1  }
0x1: {  	s3 =	rddreg [dreg:$0x0];
	s1 =	srdreg.scid  }
0x2: {  	s0 =	stileid.u32;
	s4 =	rddreg [dreg:$0x1];
	s9 =	simm.s32 $0x400  }
0x3: {  	s5 =	sand.u32 $0x1, s1;
	s2 =	sshll.u32 s0, $0x1;
	s8 =	sshrl.u32 s0, $0x2  }
0x4: {  	s1 =	rddreg [dreg:$0x2];
	s6 =	sor.u32 s5, s2;
	s8 =	smul.u32 $0x13C00, s8  }
0x5: {  	s2 =	simm.s32 $0x0;
	s5 =	ssub.s32 $0x2, s5;
	s7 =	smul.u32 $0x4E2, s6  }
0x6: {  	[smem:$0x7FF] =	sst s2;
	s6 =	sshll.u32 s6, $0x7;
	s31 =	sshrl.u32 s5, $0x1  }
0x7: {  	_ =	strace $0x80000047;
	s6 =	sand.u32 $0x380, s6;
	s5 =	ssub.s32 s5, s31  }
0x8: {  	s3 =	sadd.s32 s7, s3;
	s6 =	sor.u32 s8, s6;
	s5 =	smax.u32 s5, $0x1  }
0x9: {  	s7 =	simm.s32 $0x2780;
	s8 =	simm.s32 $0x80;
	s6 =	sshrl.u32 s6, $0x3  }
0xa: {  	v0 =	vimm.f32 $0.0e+00;
	v1 =	vimm.f32 $1.000000000e+00;
	s3 =	sadd.s32 $0x2200, s3;
	s4 =	sadd.s32 s4, s6;
	s6 =	simm.s32 $0x1  }
.LBB2_1:
0xb: {  	s10 =	simm.s32 $0x40;
	s11 =	simm.s32 $0x0  }
.LBB2_2:
0xc: {  	p0 =	sne.s32 s10, $0x9C00;
	[tilespmem:s11+$0x2780] =	vst v0;
	s11 =	smov.u32 s10;
	s10 =	sadd.s32 $0x40, s10  }
.Ltmp0:
0xd: {  	(pc) =	sbr.rel @p0 .LBB2_2-.Ltmp0, $2  }
0xe: {  	_ =	sdelay $0x2  }
0xf: {  	s11 =	sshra.s32 s11, $0x2  }
0x10: {  	[tilespmem:s11+$0x2780] =	vst v0;
	s10 =	simm.s32 $0x0  }
0x11: {  	[tilespmem:s10], [sflag:$0x1] =	stream.linear.gather [hbm4b:s3+s10], $0x2710, $0x38;
	[tilespmem:$0x4F00] =	vst v63  }
0x12: {  	_ =	swait.ge [sflag:s6], $0x2710  }
0x13: {  	[sflag:s6] =	ssyncset.done $0x0  }
0x14: {  	s11 =	simm.s32 $0x0;
	s10 =	simm.s32 $0x40;
	[sflag:s6] =	ssyncadd.s32 $0xFFFFD8F0  }
.LBB2_4:
0x15: {  	p0 =	sne.s32 s10, $0x9C00;
	v2 =	vld [tilespmem:s11+$0x0];
	_ =	sdelay $0x3  }
.Ltmp1:
0x16: {  	(pc) =	sbr.rel @p0 .LBB2_4-.Ltmp1, $2  }
0x17: {  	_ =	sdelay $0x2  }
0x18: {  	s11 =	sshra.s32 s10, $0x2;
	s10 =	sadd.s32 $0x40, s10;
	[tilespmem:v2+s7+$0x0] =	vst.idx.add.f32.msk $0xffff, v1  }
0x19: {  	v2 =	vld [tilespmem:s11+$0x0];
	_ =	sdelay $0x5  }
0x1a: {  	s2 =	sadd.s32 $0x1, s2  }
0x1b: {  	p0 =	sne.s32 s2, s5  }
.Ltmp2:
0x1c: {  	[tilespmem:v2+s7+$0x0] =	vst.idx.add.f32.msk $0xffff, v1;
	(pc) =	sbr.rel @p0 .LBB2_1-.Ltmp2, $4  }
0x1d: {  	[hbm4b:s4+s8] =	stream.strided.scatter [tilespmem:s7], [sflag:$0x1], $0x2780, s9, s8, $0x38;
	[tilespmem:$0x4F00] =	vst v63  }
0x1e: {  	_ =	swait.ge [sflag:s6], $0x2780  }
0x1f: {  	[sflag:s6] =	ssyncset.done $0x0  }
0x20: {  	[sflag:s6] =	ssyncadd.s32 $0xFFFFD880  }
0x21: {  	_ =	sfence.sel $0x180000  }
0x22: {  	[bflag:$0x0] =	sbarrier.arrive $0xFFFF  }
0x23: {  	p0 =	sne.s32 s0, $0x0;
	_ =	strace $0x90000047  }
0x24: {  	s0 =	sadd.s32 @!p0 $0x100000, s1;
	[bflag:$0x2] =	sbarrier.arrive $0xFFFF  }
0x25: {  	[sflag:s0] =	ssyncadd.tile.s32 @!p0 $0x1;
	_ =	shalt  }
.Lfunc_end2:
_tile_overlayer_lowered:
.L_overlay_start_2:
0x26: {  	(tag) =	ssettag $0x2  }
0x27: {  	s0 =	rddreg [dreg:$0x0];
	s2 =	stileid.u32  }
0x28: {  	s1 =	rddreg [dreg:$0x1];
	p0 =	sne.s32 s2, $0x0  }
0x29: {  	s3 =	rddreg [dreg:$0x2];
	[bflag:$0x3] =	sbarrier.arrive $0xFFFF;
	s2 =	simm.s32 @!p0 $0x1C01  }
0x2a: {  	[timem:s3], [sflag:s2] =	dma.local @!p0 [hbm:s0], s1  }
0x2b: {  	s0 =	simm.s32 @!p0 $0x1  }
0x2c: {  	_ =	swait.ge @!p0 [sflag:s0], s1  }
0x2d: {  	s1 =	ssub.s32 @!p0 $0x0, s1;
	[sflag:s0] =	ssyncset.done @!p0 $0x0  }
0x2e: {  	[sflag:s0] =	ssyncadd.s32 @!p0 s1  }
0x2f: {  	[bflag:$0x3] =	sbarrier.arrive $0xFFFF  }
0x30: {  	_ =	shalt  }

</sc_bundles>
